<compile_context>
chip_gen: v7x
topology: tpu7x:2x2x1
jax: 0.10.2.dev20260603
libtpu: 0.0.44.dev20260713+nightly
codegen_flags: <defaults>
</compile_context>

<pallas_src>
import functools

import jax
import jax.numpy as jnp
from jax import lax
from jax.experimental import pallas as pl
from jax.experimental.pallas import tpu as pltpu
from jax.experimental.pallas import tpu_sc as plsc

N = 10000
E = 320000
D = 128

NC = 2
NS = 16
NW = NC * NS

NPAD = 10240
SLAB = NPAD // NS
K = 128
E2 = 327680
EPT = E2 // NW
ITERS = EPT // K
R = 2048
SHIFT = 14
MASK = (1 << SHIFT) - 1

@functools.cache
def _get_mesh():
    return plsc.VectorSubcoreMesh(
        core_axis_name="c", subcore_axis_name="s", num_cores=NC, num_subcores=NS
    )


@functools.cache
def _get_sc_deg():
    return pl.kernel(
        _sc_deg_body,
        out_type=jax.ShapeDtypeStruct((NC, NPAD), jnp.float32),
        mesh=_get_mesh(),
        scratch_types=[
            pltpu.VMEM((ITERS, K), jnp.int32),
            pltpu.VMEM((K,), jnp.float32),
            pltpu.VMEM((SLAB,), jnp.float32),
            pltpu.SemaphoreType.DMA,
            pltpu.VMEM_SHARED((NPAD,), jnp.float32),
        ],
    )


def _sc_deg_body(pack3_hbm, deg_out, col_all, ones_v, zslab, sem, acc):
    c = lax.axis_index("c")
    s = lax.axis_index("s")
    wid = s * NC + c
    def zfill(i, _):
        zslab[pl.ds(i * 16, 16)] = jnp.zeros((16,), jnp.float32)
        return 0

    lax.fori_loop(0, SLAB // 16, zfill, 0)
    pltpu.sync_copy(zslab, acc.at[pl.ds(s * SLAB, SLAB)])
    pltpu.sync_copy(pack3_hbm.at[wid], col_all)

    def fill(i, _):
        ones_v[pl.ds(i * 16, 16)] = jnp.full((16,), 1.0, jnp.float32)
        return 0

    lax.fori_loop(0, K // 16, fill, 0)

    def dec(j, _):
        def dec16(t, _):
            p = col_all[j, pl.ds(t * 16, 16)]
            col_all[j, pl.ds(t * 16, 16)] = lax.bitwise_and(p, MASK)
            return 0

        lax.fori_loop(0, K // 16, dec16, 0)
        return 0

    lax.fori_loop(0, ITERS, dec, 0)
    plsc.subcore_barrier()

    def step(j, _):
        pltpu.async_copy(ones_v, acc.at[col_all.at[j]], sem, add=True)
        return 0

    lax.fori_loop(0, ITERS, step, 0)

    def drain(j, _):
        pltpu.make_async_copy(ones_v, acc.at[col_all.at[j]], sem).wait()
        return 0

    lax.fori_loop(0, ITERS, drain, 0)
    plsc.subcore_barrier()
    pltpu.sync_copy(acc.at[pl.ds(s * SLAB, SLAB)], deg_out.at[c, pl.ds(s * SLAB, SLAB)])


@functools.cache
def _get_sc_agg():
    return pl.kernel(
        _sc_agg_body,
        out_type=jax.ShapeDtypeStruct((NC, NPAD, D), jnp.float32),
        mesh=_get_mesh(),
        scratch_types=[
            pltpu.VMEM((ITERS, K), jnp.int32),
            pltpu.VMEM((K,), jnp.int32),
            pltpu.VMEM((K,), jnp.int32),
            pltpu.VMEM((K,), jnp.int32),
            pltpu.VMEM((K,), jnp.int32),
            pltpu.VMEM((K,), jnp.int32),
            pltpu.VMEM((K,), jnp.int32),
            pltpu.VMEM((K,), jnp.int32),
            pltpu.VMEM((K,), jnp.int32),
            pltpu.VMEM((K, D), jnp.float32),
            pltpu.VMEM((K, D), jnp.float32),
            pltpu.SemaphoreType.DMA,
            pltpu.SemaphoreType.DMA,
            pltpu.VMEM_SHARED((NPAD, D), jnp.float32),
        ],
    )


def _sc_agg_body(
    pack3_hbm, z_hbm, agg_out,
    pack_all, row0, row1, row2, row3, col0, col1, col2, col3,
    rows0, rows1, sem_g, sem_s, acc,
):
    c = lax.axis_index("c")
    s = lax.axis_index("s")
    wid = s * NC + c

    def zfill(r, _):
        def zfill16(t, _):
            rows0[r, pl.ds(t * 16, 16)] = jnp.zeros((16,), jnp.float32)
            return 0

        lax.fori_loop(0, D // 16, zfill16, 0)
        return 0

    lax.fori_loop(0, K, zfill, 0)
    for q in range(SLAB // K):
        pltpu.sync_copy(rows0, acc.at[pl.ds(s * SLAB + q * K, K)])
    pltpu.sync_copy(pack3_hbm.at[wid], pack_all)
    plsc.subcore_barrier()

    def decode(j, row_c, col_c):
        def dec16(t, _):
            p = pack_all[j, pl.ds(t * 16, 16)]
            row_c[pl.ds(t * 16, 16)] = lax.shift_right_logical(p, SHIFT)
            col_c[pl.ds(t * 16, 16)] = lax.bitwise_and(p, MASK)
            return 0

        lax.fori_loop(0, K // 16, dec16, 0)

    def gath(j, row_c, buf):
        pltpu.async_copy(z_hbm.at[row_c], buf, sem_g)

    def gath_wait(row_c, buf):
        pltpu.make_async_copy(z_hbm.at[row_c], buf, sem_g).wait()

    def scat(col_c, buf):
        pltpu.async_copy(buf, acc.at[col_c], sem_s, add=True)

    def scat_wait(col_c, buf):
        pltpu.make_async_copy(buf, acc.at[col_c], sem_s).wait()

    decode(0, row0, col0)
    gath(0, row0, rows0)
    decode(1, row1, col1)
    gath_wait(row0, rows0)
    scat(col0, rows0)
    gath(1, row1, rows1)
    decode(2, row2, col2)

    def quad(k, _):
        i = 4 * k + 1
        gath_wait(row1, rows1)
        scat(col1, rows1)
        scat_wait(col0, rows0)
        gath(i + 1, row2, rows0)
        decode(i + 2, row3, col3)
        gath_wait(row2, rows0)
        scat(col2, rows0)
        scat_wait(col1, rows1)
        gath(i + 2, row3, rows1)
        decode(i + 3, row0, col0)
        gath_wait(row3, rows1)
        scat(col3, rows1)
        scat_wait(col2, rows0)
        gath(i + 3, row0, rows0)
        decode(i + 4, row1, col1)
        gath_wait(row0, rows0)
        scat(col0, rows0)
        scat_wait(col3, rows1)
        gath(i + 4, row1, rows1)
        decode(i + 5, row2, col2)
        return 0

    lax.fori_loop(0, (ITERS - 4) // 4, quad, 0)

    gath_wait(row1, rows1)
    scat(col1, rows1)
    scat_wait(col0, rows0)
    gath(ITERS - 2, row2, rows0)
    gath_wait(row2, rows0)
    scat(col2, rows0)
    scat_wait(col1, rows1)
    decode(ITERS - 1, row3, col3)
    gath(ITERS - 1, row3, rows1)
    gath_wait(row3, rows1)
    scat(col3, rows1)
    scat_wait(col2, rows0)
    scat_wait(col3, rows1)
    plsc.subcore_barrier()
    pltpu.sync_copy(acc.at[pl.ds(s * SLAB, SLAB)], agg_out.at[c, pl.ds(s * SLAB, SLAB)])


def _dis_from_degp(degp):
    deg = jnp.sum(degp, axis=0)
    return jnp.where(deg > 0, lax.rsqrt(deg), 0.0)


def _tc_prep_body(x_ref, degp_ref, w0_ref, z_ref, h0_ref):
    dis = _dis_from_degp(degp_ref[...])
    x = x_ref[...]
    z_ref[...] = x * dis[:, None]
    h0_ref[...] = jnp.dot(x, w0_ref[...], preferred_element_type=jnp.float32)


def _tc_prep(x, deg_p, W0):
    return pl.pallas_call(
        _tc_prep_body,
        grid=(pl.cdiv(N, R),),
        in_specs=[
            pl.BlockSpec((R, D), lambda i: (i, 0)),
            pl.BlockSpec((NC, R), lambda i: (0, i)),
            pl.BlockSpec((D, D), lambda i: (0, 0)),
        ],
        out_specs=[
            pl.BlockSpec((R, D), lambda i: (i, 0)),
            pl.BlockSpec((R, D), lambda i: (i, 0)),
        ],
        out_shape=[
            jax.ShapeDtypeStruct((N, D), jnp.float32),
            jax.ShapeDtypeStruct((N, D), jnp.float32),
        ],
    )(x, deg_p, W0)


def _tc_final_body(h0_ref, aggp_ref, degp_ref, w1_ref, o_ref):
    dis = _dis_from_degp(degp_ref[...])
    agg = (aggp_ref[0] + aggp_ref[1]) * dis[:, None]
    o_ref[...] = h0_ref[...] + jnp.dot(
        agg, w1_ref[...], preferred_element_type=jnp.float32
    )


def _tc_final(h0, agg_p, deg_p, W1):
    return pl.pallas_call(
        _tc_final_body,
        grid=(pl.cdiv(N, R),),
        in_specs=[
            pl.BlockSpec((R, D), lambda i: (i, 0)),
            pl.BlockSpec((NC, R, D), lambda i: (0, i, 0)),
            pl.BlockSpec((NC, R), lambda i: (0, i)),
            pl.BlockSpec((D, D), lambda i: (0, 0)),
        ],
        out_specs=pl.BlockSpec((R, D), lambda i: (i, 0)),
        out_shape=jax.ShapeDtypeStruct((N, D), jnp.float32),
    )(h0, agg_p, deg_p, W1)


def kernel(x, edge_index, W0, W1):
    pad_n = E2 - E
    spread_row = jnp.arange(pad_n, dtype=jnp.int32) % N
    spread_col = N + jnp.arange(pad_n, dtype=jnp.int32) % (NPAD - N)
    row3 = jnp.concatenate([edge_index[0], spread_row]).reshape(NW, ITERS, K)
    col3 = jnp.concatenate([edge_index[1], spread_col]).reshape(NW, ITERS, K)
    pack3 = (row3 << SHIFT) | col3
    deg_p = _get_sc_deg()(pack3)
    z, h0 = _tc_prep(x, deg_p, W0)
    agg_p = _get_sc_agg()(pack3, z)
    return _tc_final(h0, agg_p, deg_p, W1)

# --- scband reference (transcript-rebuilt; emitter-appended) ---
"""Pipeline reference for scband-gcn-block-13056700579874 (READ-ONLY COPY).

The authoritative reference and input builder live on the scoring server;
editing this copy changes nothing except your own understanding.
"""

import jax, jax.numpy as jnp
import numpy as np

N = 10000
E = 320000
D_IN = 128
D_OUT = 128


def setup_inputs(seed: int = 0) -> dict:
    key = jax.random.key(seed)
    k1, k2, k3, k4 = jax.random.split(key, 4)
    x = jax.random.normal(k1, (N, D_IN), dtype=jnp.float32)
    edge_index = jax.random.randint(k2, (2, E), 0, N, dtype=jnp.int32)
    # TAGConv(K=1, bias=False) has two hop-linears: lins[0] (hop-0) and lins[1] (hop-1)
    bound = 1.0 / np.sqrt(D_IN)
    W0 = jax.random.uniform(k3, (D_IN, D_OUT), dtype=jnp.float32, minval=-bound, maxval=bound)
    W1 = jax.random.uniform(k4, (D_IN, D_OUT), dtype=jnp.float32, minval=-bound, maxval=bound)
    return {"x": x, "edge_index": edge_index, "W0": W0, "W1": W1}


def reference(x, edge_index, W0, W1):
    # TAGConv with K=1, normalize=True, bias=False:
    #   out = x @ W0 + (D^{-1/2} A D^{-1/2} x) @ W1   (gcn_norm without self-loops)
    row = edge_index[0]  # source nodes (messages flow src -> dst)
    col = edge_index[1]  # destination nodes
    edge_weight = jnp.ones((edge_index.shape[1],), dtype=x.dtype)
    # degree computed at destination (col), per PyG gcn_norm with flow source_to_target
    deg = jnp.zeros((x.shape[0],), dtype=x.dtype).at[col].add(edge_weight)
    deg_inv_sqrt = jnp.where(deg > 0, 1.0 / jnp.sqrt(deg), 0.0)
    norm = deg_inv_sqrt[row] * edge_weight * deg_inv_sqrt[col]
    # hop-0 term
    out = x @ W0
    # hop-1 propagate: gather source features, scale by norm, scatter-add to dst
    msg = x[row] * norm[:, None]
    agg = jnp.zeros((x.shape[0], x.shape[1]), dtype=x.dtype).at[col].add(msg)
    out = out + agg @ W1
    return out

if __name__ == "__main__":
    import jax
    _d = setup_inputs()
    print(jax.jit(kernel)(*tuple(_d.values())))

</pallas_src>

<mosaic_0001>
#map = affine_map<(d0, d1) -> (0, 0, 0)>
#map1 = affine_map<(d0, d1) -> (0, 0)>
module attributes {stable_mosaic.version = 14 : i64} {
  func.func @_sc_deg_body(%arg0: i32, %arg1: i32, %arg2: memref<32x80x128xi32, #tpu.memory_space<hbm>>, %arg3: memref<2x10240xf32, #tpu.memory_space<hbm>>, %arg4: memref<80x128xi32, #tpu.memory_space<vmem>>, %arg5: memref<128xf32, #tpu.memory_space<vmem>>, %arg6: memref<640xf32, #tpu.memory_space<vmem>>, %arg7: memref<!tpu.dma_semaphore, #tpu.memory_space<semaphore_mem>>, %arg8: memref<10240xf32, #tpu.memory_space<vmem_shared>>) attributes {dimension_semantics = [#tpu.dimension_semantics<core_parallel>, #tpu.dimension_semantics<subcore_parallel>], iteration_bounds = array<i64: 2, 16>, scalar_prefetch = 0 : i64, scratch_operands = 5 : i64, tpu.core_type = #tpu.core_type<sc_vector_subcore>, window_params = [{transform_indices = #map}, {transform_indices = #map1}]} {
    %mul3A = arith.constant 2 : i32
    %mul3A_0 = arith.muli %arg1, %mul3A : i32
    %add3A = arith.addi %mul3A_0, %arg0 : i32
    %scan3A = arith.constant 0 : i32
    %scan3A_1 = arith.constant 0 : i32
    %scan3A_2 = arith.constant 40 : i32
    %scan3A_3 = arith.addi %scan3A_1, %scan3A_2 : i32
    %scan3A_4 = arith.constant 1 : i32
    %scan3A_5 = scf.for %scan3A_42 = %scan3A_1 to %scan3A_3 step %scan3A_4 iter_args(%scan3A_43 = %scan3A) -> (i32)  : i32 {
      %broadcast_in_dim3A = arith.constant 0.000000e+00 : f32
      %broadcast_in_dim3A_44 = vector.broadcast %broadcast_in_dim3A : f32 to vector<16xf32>
      %mul3A_45 = arith.constant 16 : i32
      %mul3A_46 = arith.muli %scan3A_42, %mul3A_45 : i32
      %swap3A = arith.index_cast %mul3A_46 : i32 to index
      %swap3A_47 = tpu.vector_load %arg6[%swap3A] {strides = array<i32>} : memref<640xf32, #tpu.memory_space<vmem>>, vector<16xf32>,
      %swap3A_48 = vector.shape_cast %swap3A_47 : vector<16xf32> to vector<16xf32>
      %swap3A_49 = vector.shape_cast %broadcast_in_dim3A_44 : vector<16xf32> to vector<16xf32>
      tpu.vector_store %arg6[%swap3A], %swap3A_49 {strides = array<i32>} : memref<640xf32, #tpu.memory_space<vmem>>, vector<16xf32>,
      %scan3A_50 = arith.constant 0 : i32
      scf.yield %scan3A_50 : i32
    }
    %scan3A_6 = arith.constant 40 : i32
    %mul3A_7 = arith.constant 640 : i32
    %mul3A_8 = arith.muli %arg1, %mul3A_7 : i32
    "tpu.region"() ({
      %run_scoped3A = tpu.sem_alloc : memref<!tpu.dma_semaphore, #tpu.memory_space<semaphore_mem>>
      %dma_start3A = tpu.memref_slice %arg8[%mul3A_8] : memref<10240xf32, #tpu.memory_space<vmem_shared>> -> memref<640xf32, #tpu.memory_space<vmem_shared>>
      %dma_start3A_42 = tpu.memref_slice %arg8[%mul3A_8] : memref<10240xf32, #tpu.memory_space<vmem_shared>> -> memref<640xf32, #tpu.memory_space<vmem_shared>>
      tpu.enqueue_dma source(%arg6 : memref<640xf32, #tpu.memory_space<vmem>>) target(%dma_start3A_42 : memref<640xf32, #tpu.memory_space<vmem_shared>>) target_semaphore(%run_scoped3A : memref<!tpu.dma_semaphore, #tpu.memory_space<semaphore_mem>>)
      %dma_wait3A = tpu.memref_slice %arg8[%mul3A_8] : memref<10240xf32, #tpu.memory_space<vmem_shared>> -> memref<640xf32, #tpu.memory_space<vmem_shared>>
      %dma_wait3A_43 = tpu.memref_slice %arg8[%mul3A_8] : memref<10240xf32, #tpu.memory_space<vmem_shared>> -> memref<640xf32, #tpu.memory_space<vmem_shared>>
      tpu.wait_dma2 semaphore(%run_scoped3A : memref<!tpu.dma_semaphore, #tpu.memory_space<semaphore_mem>>) src(%arg6 : memref<640xf32, #tpu.memory_space<vmem>>) dst(%dma_wait3A_43 : memref<640xf32, #tpu.memory_space<vmem_shared>>)
      tpu.yield
    }) : () -> ()
    "tpu.region"() ({
      %run_scoped3A = tpu.sem_alloc : memref<!tpu.dma_semaphore, #tpu.memory_space<semaphore_mem>>
      %dma_start3A = arith.constant 0 : i32
      %dma_start3A_42 = arith.constant 0 : i32
      %dma_start3A_43 = tpu.memref_slice %arg2[%add3A, %dma_start3A, %dma_start3A_42] : memref<32x80x128xi32, #tpu.memory_space<hbm>> -> memref<1x80x128xi32, #tpu.memory_space<hbm>>
      %dma_start3A_44 = tpu.memref_squeeze %dma_start3A_43 : memref<1x80x128xi32, #tpu.memory_space<hbm>> -> memref<80x128xi32, #tpu.memory_space<hbm>>
      %dma_start3A_45 = arith.constant 0 : i32
      %dma_start3A_46 = arith.constant 0 : i32
      %dma_start3A_47 = tpu.memref_slice %arg2[%add3A, %dma_start3A_45, %dma_start3A_46] : memref<32x80x128xi32, #tpu.memory_space<hbm>> -> memref<1x80x128xi32, #tpu.memory_space<hbm>>
      %dma_start3A_48 = tpu.memref_squeeze %dma_start3A_47 : memref<1x80x128xi32, #tpu.memory_space<hbm>> -> memref<80x128xi32, #tpu.memory_space<hbm>>
      tpu.enqueue_dma source(%dma_start3A_48 : memref<80x128xi32, #tpu.memory_space<hbm>>) target(%arg4 : memref<80x128xi32, #tpu.memory_space<vmem>>) target_semaphore(%run_scoped3A : memref<!tpu.dma_semaphore, #tpu.memory_space<semaphore_mem>>)
      %dma_wait3A = arith.constant 0 : i32
      %dma_wait3A_49 = arith.constant 0 : i32
      %dma_wait3A_50 = tpu.memref_slice %arg2[%add3A, %dma_wait3A, %dma_wait3A_49] : memref<32x80x128xi32, #tpu.memory_space<hbm>> -> memref<1x80x128xi32, #tpu.memory_space<hbm>>
      %dma_wait3A_51 = tpu.memref_squeeze %dma_wait3A_50 : memref<1x80x128xi32, #tpu.memory_space<hbm>> -> memref<80x128xi32, #tpu.memory_space<hbm>>
      %dma_wait3A_52 = arith.constant 0 : i32
      %dma_wait3A_53 = arith.constant 0 : i32
      %dma_wait3A_54 = tpu.memref_slice %arg2[%add3A, %dma_wait3A_52, %dma_wait3A_53] : memref<32x80x128xi32, #tpu.memory_space<hbm>> -> memref<1x80x128xi32, #tpu.memory_space<hbm>>
      %dma_wait3A_55 = tpu.memref_squeeze %dma_wait3A_54 : memref<1x80x128xi32, #tpu.memory_space<hbm>> -> memref<80x128xi32, #tpu.memory_space<hbm>>
      tpu.wait_dma2 semaphore(%run_scoped3A : memref<!tpu.dma_semaphore, #tpu.memory_space<semaphore_mem>>) src(%dma_wait3A_55 : memref<80x128xi32, #tpu.memory_space<hbm>>) dst(%arg4 : memref<80x128xi32, #tpu.memory_space<vmem>>)
      tpu.yield
    }) : () -> ()
    %scan3A_9 = arith.constant 0 : i32
    %scan3A_10 = arith.constant 0 : i32
    %scan3A_11 = arith.constant 8 : i32
    %scan3A_12 = arith.addi %scan3A_10, %scan3A_11 : i32
    %scan3A_13 = arith.constant 1 : i32
    %scan3A_14 = scf.for %scan3A_42 = %scan3A_10 to %scan3A_12 step %scan3A_13 iter_args(%scan3A_43 = %scan3A_9) -> (i32)  : i32 {
      %broadcast_in_dim3A = arith.constant 1.000000e+00 : f32
      %broadcast_in_dim3A_44 = vector.broadcast %broadcast_in_dim3A : f32 to vector<16xf32>
      %mul3A_45 = arith.constant 16 : i32
      %mul3A_46 = arith.muli %scan3A_42, %mul3A_45 : i32
      %swap3A = arith.index_cast %mul3A_46 : i32 to index
      %swap3A_47 = tpu.vector_load %arg5[%swap3A] {strides = array<i32>} : memref<128xf32, #tpu.memory_space<vmem>>, vector<16xf32>,
      %swap3A_48 = vector.shape_cast %swap3A_47 : vector<16xf32> to vector<16xf32>
      %swap3A_49 = vector.shape_cast %broadcast_in_dim3A_44 : vector<16xf32> to vector<16xf32>
      tpu.vector_store %arg5[%swap3A], %swap3A_49 {strides = array<i32>} : memref<128xf32, #tpu.memory_space<vmem>>, vector<16xf32>,
      %scan3A_50 = arith.constant 0 : i32
      scf.yield %scan3A_50 : i32
    }
    %scan3A_15 = arith.constant 8 : i32
    %scan3A_16 = arith.constant 0 : i32
    %scan3A_17 = arith.constant 0 : i32
    %scan3A_18 = arith.constant 80 : i32
    %scan3A_19 = arith.addi %scan3A_17, %scan3A_18 : i32
    %scan3A_20 = arith.constant 1 : i32
    %scan3A_21 = scf.for %scan3A_42 = %scan3A_17 to %scan3A_19 step %scan3A_20 iter_args(%scan3A_43 = %scan3A_16) -> (i32)  : i32 {
      %scan3A_44 = arith.constant 0 : i32
      %scan3A_45 = arith.constant 0 : i32
      %scan3A_46 = arith.constant 8 : i32
      %scan3A_47 = arith.addi %scan3A_45, %scan3A_46 : i32
      %scan3A_48 = arith.constant 1 : i32
      %scan3A_49 = scf.for %scan3A_52 = %scan3A_45 to %scan3A_47 step %scan3A_48 iter_args(%scan3A_53 = %scan3A_44) -> (i32)  : i32 {
        %mul3A_54 = arith.constant 16 : i32
        %mul3A_55 = arith.muli %scan3A_52, %mul3A_54 : i32
        %get3A = arith.index_cast %scan3A_42 : i32 to index
        %get3A_56 = arith.index_cast %mul3A_55 : i32 to index
        %get3A_57 = tpu.vector_load %arg4[%get3A, %get3A_56] {strides = array<i32>} : memref<80x128xi32, #tpu.memory_space<vmem>>, vector<1x16xi32>,
        %get3A_58 = vector.shape_cast %get3A_57 : vector<1x16xi32> to vector<16xi32>
        %and3A = arith.constant 16383 : i32
        %and3A_59 = vector.broadcast %and3A : i32 to vector<16xi32>
        %and3A_60 = arith.andi %get3A_58, %and3A_59 : vector<16xi32>
        %mul3A_61 = arith.constant 16 : i32
        %mul3A_62 = arith.muli %scan3A_52, %mul3A_61 : i32
        %swap3A = arith.index_cast %scan3A_42 : i32 to index
        %swap3A_63 = arith.index_cast %mul3A_62 : i32 to index
        %swap3A_64 = tpu.vector_load %arg4[%swap3A, %swap3A_63] {strides = array<i32>} : memref<80x128xi32, #tpu.memory_space<vmem>>, vector<1x16xi32>,
        %swap3A_65 = vector.shape_cast %swap3A_64 : vector<1x16xi32> to vector<16xi32>
        %swap3A_66 = vector.shape_cast %and3A_60 : vector<16xi32> to vector<1x16xi32>
        tpu.vector_store %arg4[%swap3A, %swap3A_63], %swap3A_66 {strides = array<i32>} : memref<80x128xi32, #tpu.memory_space<vmem>>, vector<1x16xi32>,
        %scan3A_67 = arith.constant 0 : i32
        scf.yield %scan3A_67 : i32
      }
      %scan3A_50 = arith.constant 8 : i32
      %scan3A_51 = arith.constant 0 : i32
      scf.yield %scan3A_51 : i32
    }
    %scan3A_22 = arith.constant 80 : i32
    %barrier3A = arith.constant 0 : index
    tpu.barrier barrier_id(%barrier3A)
    %scan3A_23 = arith.constant 0 : i32
    %scan3A_24 = arith.constant 0 : i32
    %scan3A_25 = arith.constant 80 : i32
    %scan3A_26 = arith.addi %scan3A_24, %scan3A_25 : i32
    %scan3A_27 = arith.constant 1 : i32
    %scan3A_28 = scf.for %scan3A_42 = %scan3A_24 to %scan3A_26 step %scan3A_27 iter_args(%scan3A_43 = %scan3A_23) -> (i32)  : i32 {
      %dma_start3A = arith.constant 0 : i32
      %dma_start3A_44 = tpu.memref_slice %arg4[%scan3A_42, %dma_start3A] : memref<80x128xi32, #tpu.memory_space<vmem>> -> memref<1x128xi32, #tpu.memory_space<vmem>>
      %dma_start3A_45 = tpu.memref_squeeze %dma_start3A_44 : memref<1x128xi32, #tpu.memory_space<vmem>> -> memref<128xi32, #tpu.memory_space<vmem>>
      %dma_start3A_46 = arith.constant 0 : i32
      %dma_start3A_47 = tpu.memref_slice %arg8[%dma_start3A_46] : memref<10240xf32, #tpu.memory_space<vmem_shared>> -> memref<10240xf32, #tpu.memory_space<vmem_shared>>
      tpu.enqueue_indirect_dma source(%arg5 : memref<128xf32, #tpu.memory_space<vmem>>) target(%dma_start3A_47 : memref<10240xf32, #tpu.memory_space<vmem_shared>>) offsets(%dma_start3A_45 : memref<128xi32, #tpu.memory_space<vmem>>) semaphore(%arg7 : memref<!tpu.dma_semaphore, #tpu.memory_space<semaphore_mem>>) {add = true}
      %scan3A_48 = arith.constant 0 : i32
      scf.yield %scan3A_48 : i32
    }
    %scan3A_29 = arith.constant 80 : i32
    %scan3A_30 = arith.constant 0 : i32
    %scan3A_31 = arith.constant 0 : i32
    %scan3A_32 = arith.constant 80 : i32
    %scan3A_33 = arith.addi %scan3A_31, %scan3A_32 : i32
    %scan3A_34 = arith.constant 1 : i32
    %scan3A_35 = scf.for %scan3A_42 = %scan3A_31 to %scan3A_33 step %scan3A_34 iter_args(%scan3A_43 = %scan3A_30) -> (i32)  : i32 {
      %dma_wait3A = arith.constant 0 : i32
      %dma_wait3A_44 = tpu.memref_slice %arg4[%scan3A_42, %dma_wait3A] : memref<80x128xi32, #tpu.memory_space<vmem>> -> memref<1x128xi32, #tpu.memory_space<vmem>>
      %dma_wait3A_45 = tpu.memref_squeeze %dma_wait3A_44 : memref<1x128xi32, #tpu.memory_space<vmem>> -> memref<128xi32, #tpu.memory_space<vmem>>
      %dma_wait3A_46 = arith.constant 0 : i32
      %dma_wait3A_47 = tpu.memref_slice %arg8[%dma_wait3A_46] : memref<10240xf32, #tpu.memory_space<vmem_shared>> -> memref<10240xf32, #tpu.memory_space<vmem_shared>>
      tpu.wait_indirect_dma semaphore(%arg7 : memref<!tpu.dma_semaphore, #tpu.memory_space<semaphore_mem>>) src(%arg5 : memref<128xf32, #tpu.memory_space<vmem>>) dst(%dma_wait3A_47 : memref<10240xf32, #tpu.memory_space<vmem_shared>>)
      %scan3A_48 = arith.constant 0 : i32
      scf.yield %scan3A_48 : i32
    }
    %scan3A_36 = arith.constant 80 : i32
    %barrier3A_37 = arith.constant 0 : index
    tpu.barrier barrier_id(%barrier3A_37)
    %mul3A_38 = arith.constant 640 : i32
    %mul3A_39 = arith.muli %arg1, %mul3A_38 : i32
    %mul3A_40 = arith.constant 640 : i32
    %mul3A_41 = arith.muli %arg1, %mul3A_40 : i32
    "tpu.region"() ({
      %run_scoped3A = tpu.sem_alloc : memref<!tpu.dma_semaphore, #tpu.memory_space<semaphore_mem>>
      %dma_start3A = tpu.memref_slice %arg3[%arg0, %mul3A_41] : memref<2x10240xf32, #tpu.memory_space<hbm>> -> memref<1x640xf32, #tpu.memory_space<hbm>>
      %dma_start3A_42 = tpu.memref_squeeze %dma_start3A : memref<1x640xf32, #tpu.memory_space<hbm>> -> memref<640xf32, #tpu.memory_space<hbm>>
      %dma_start3A_43 = tpu.memref_slice %arg8[%mul3A_39] : memref<10240xf32, #tpu.memory_space<vmem_shared>> -> memref<640xf32, #tpu.memory_space<vmem_shared>>
      tpu.enqueue_dma source(%dma_start3A_43 : memref<640xf32, #tpu.memory_space<vmem_shared>>) target(%dma_start3A_42 : memref<640xf32, #tpu.memory_space<hbm>>) target_semaphore(%run_scoped3A : memref<!tpu.dma_semaphore, #tpu.memory_space<semaphore_mem>>)
      %dma_wait3A = tpu.memref_slice %arg3[%arg0, %mul3A_41] : memref<2x10240xf32, #tpu.memory_space<hbm>> -> memref<1x640xf32, #tpu.memory_space<hbm>>
      %dma_wait3A_44 = tpu.memref_squeeze %dma_wait3A : memref<1x640xf32, #tpu.memory_space<hbm>> -> memref<640xf32, #tpu.memory_space<hbm>>
      %dma_wait3A_45 = tpu.memref_slice %arg8[%mul3A_39] : memref<10240xf32, #tpu.memory_space<vmem_shared>> -> memref<640xf32, #tpu.memory_space<vmem_shared>>
      tpu.wait_dma2 semaphore(%run_scoped3A : memref<!tpu.dma_semaphore, #tpu.memory_space<semaphore_mem>>) src(%dma_wait3A_45 : memref<640xf32, #tpu.memory_space<vmem_shared>>) dst(%dma_wait3A_44 : memref<640xf32, #tpu.memory_space<hbm>>)
      tpu.yield
    }) : () -> ()
    return
  }
}

#map = affine_map<(d0, d1) -> (0, 0, 0)>
#map1 = affine_map<(d0, d1) -> (0, 0)>
module attributes {stable_mosaic.version = 14 : i64} {
  func.func @_sc_agg_body(%arg0: i32, %arg1: i32, %arg2: memref<32x80x128xi32, #tpu.memory_space<hbm>>, %arg3: memref<10000x128xf32, #tpu.memory_space<hbm>>, %arg4: memref<2x10240x128xf32, #tpu.memory_space<hbm>>, %arg5: memref<80x128xi32, #tpu.memory_space<vmem>>, %arg6: memref<128xi32, #tpu.memory_space<vmem>>, %arg7: memref<128xi32, #tpu.memory_space<vmem>>, %arg8: memref<128xi32, #tpu.memory_space<vmem>>, %arg9: memref<128xi32, #tpu.memory_space<vmem>>, %arg10: memref<128xi32, #tpu.memory_space<vmem>>, %arg11: memref<128xi32, #tpu.memory_space<vmem>>, %arg12: memref<128xi32, #tpu.memory_space<vmem>>, %arg13: memref<128xi32, #tpu.memory_space<vmem>>, %arg14: memref<128x128xf32, #tpu.memory_space<vmem>>, %arg15: memref<128x128xf32, #tpu.memory_space<vmem>>, %arg16: memref<!tpu.dma_semaphore, #tpu.memory_space<semaphore_mem>>, %arg17: memref<!tpu.dma_semaphore, #tpu.memory_space<semaphore_mem>>, %arg18: memref<10240x128xf32, #tpu.memory_space<vmem_shared>>) attributes {dimension_semantics = [#tpu.dimension_semantics<core_parallel>, #tpu.dimension_semantics<subcore_parallel>], iteration_bounds = array<i64: 2, 16>, scalar_prefetch = 0 : i64, scratch_operands = 14 : i64, tpu.core_type = #tpu.core_type<sc_vector_subcore>, window_params = [{transform_indices = #map}, {transform_indices = #map1}, {transform_indices = #map}]} {
    %mul3A = arith.constant 2 : i32
    %mul3A_0 = arith.muli %arg1, %mul3A : i32
    %add3A = arith.addi %mul3A_0, %arg0 : i32
    %scan3A = arith.constant 0 : i32
    %scan3A_1 = arith.constant 0 : i32
    %scan3A_2 = arith.constant 128 : i32
    %scan3A_3 = arith.addi %scan3A_1, %scan3A_2 : i32
    %scan3A_4 = arith.constant 1 : i32
    %scan3A_5 = scf.for %scan3A_113 = %scan3A_1 to %scan3A_3 step %scan3A_4 iter_args(%scan3A_114 = %scan3A) -> (i32)  : i32 {
      %scan3A_115 = arith.constant 0 : i32
      %scan3A_116 = arith.constant 0 : i32
      %scan3A_117 = arith.constant 8 : i32
      %scan3A_118 = arith.addi %scan3A_116, %scan3A_117 : i32
      %scan3A_119 = arith.constant 1 : i32
      %scan3A_120 = scf.for %scan3A_123 = %scan3A_116 to %scan3A_118 step %scan3A_119 iter_args(%scan3A_124 = %scan3A_115) -> (i32)  : i32 {
        %broadcast_in_dim3A = arith.constant 0.000000e+00 : f32
        %broadcast_in_dim3A_125 = vector.broadcast %broadcast_in_dim3A : f32 to vector<16xf32>
        %mul3A_126 = arith.constant 16 : i32
        %mul3A_127 = arith.muli %scan3A_123, %mul3A_126 : i32
        %swap3A = arith.index_cast %scan3A_113 : i32 to index
        %swap3A_128 = arith.index_cast %mul3A_127 : i32 to index
        %swap3A_129 = tpu.vector_load %arg14[%swap3A, %swap3A_128] {strides = array<i32>} : memref<128x128xf32, #tpu.memory_space<vmem>>, vector<1x16xf32>,
        %swap3A_130 = vector.shape_cast %swap3A_129 : vector<1x16xf32> to vector<16xf32>
        %swap3A_131 = vector.shape_cast %broadcast_in_dim3A_125 : vector<16xf32> to vector<1x16xf32>
        tpu.vector_store %arg14[%swap3A, %swap3A_128], %swap3A_131 {strides = array<i32>} : memref<128x128xf32, #tpu.memory_space<vmem>>, vector<1x16xf32>,
        %scan3A_132 = arith.constant 0 : i32
        scf.yield %scan3A_132 : i32
      }
      %scan3A_121 = arith.constant 8 : i32
      %scan3A_122 = arith.constant 0 : i32
      scf.yield %scan3A_122 : i32
    }
    %scan3A_6 = arith.constant 128 : i32
    %mul3A_7 = arith.constant 640 : i32
    %mul3A_8 = arith.muli %arg1, %mul3A_7 : i32
    %add3A_9 = arith.constant 0 : i32
    %add3A_10 = arith.addi %mul3A_8, %add3A_9 : i32
    "tpu.region"() ({
      %run_scoped3A = tpu.sem_alloc : memref<!tpu.dma_semaphore, #tpu.memory_space<semaphore_mem>>
      %dma_start3A_113 = arith.constant 0 : i32
      %dma_start3A_114 = tpu.memref_slice %arg18[%add3A_10, %dma_start3A_113] : memref<10240x128xf32, #tpu.memory_space<vmem_shared>> -> memref<128x128xf32, #tpu.memory_space<vmem_shared>>
      %dma_start3A_115 = arith.constant 0 : i32
      %dma_start3A_116 = tpu.memref_slice %arg18[%add3A_10, %dma_start3A_115] : memref<10240x128xf32, #tpu.memory_space<vmem_shared>> -> memref<128x128xf32, #tpu.memory_space<vmem_shared>>
      tpu.enqueue_dma source(%arg14 : memref<128x128xf32, #tpu.memory_space<vmem>>) target(%dma_start3A_116 : memref<128x128xf32, #tpu.memory_space<vmem_shared>>) target_semaphore(%run_scoped3A : memref<!tpu.dma_semaphore, #tpu.memory_space<semaphore_mem>>)
      %dma_wait3A_117 = arith.constant 0 : i32
      %dma_wait3A_118 = tpu.memref_slice %arg18[%add3A_10, %dma_wait3A_117] : memref<10240x128xf32, #tpu.memory_space<vmem_shared>> -> memref<128x128xf32, #tpu.memory_space<vmem_shared>>
      %dma_wait3A_119 = arith.constant 0 : i32
      %dma_wait3A_120 = tpu.memref_slice %arg18[%add3A_10, %dma_wait3A_119] : memref<10240x128xf32, #tpu.memory_space<vmem_shared>> -> memref<128x128xf32, #tpu.memory_space<vmem_shared>>
      tpu.wait_dma2 semaphore(%run_scoped3A : memref<!tpu.dma_semaphore, #tpu.memory_space<semaphore_mem>>) src(%arg14 : memref<128x128xf32, #tpu.memory_space<vmem>>) dst(%dma_wait3A_120 : memref<128x128xf32, #tpu.memory_space<vmem_shared>>)
      tpu.yield
    }) : () -> ()
    %mul3A_11 = arith.constant 640 : i32
    %mul3A_12 = arith.muli %arg1, %mul3A_11 : i32
    %add3A_13 = arith.constant 128 : i32
    %add3A_14 = arith.addi %mul3A_12, %add3A_13 : i32
    "tpu.region"() ({
      %run_scoped3A = tpu.sem_alloc : memref<!tpu.dma_semaphore, #tpu.memory_space<semaphore_mem>>
      %dma_start3A_113 = arith.constant 0 : i32
      %dma_start3A_114 = tpu.memref_slice %arg18[%add3A_14, %dma_start3A_113] : memref<10240x128xf32, #tpu.memory_space<vmem_shared>> -> memref<128x128xf32, #tpu.memory_space<vmem_shared>>
      %dma_start3A_115 = arith.constant 0 : i32
      %dma_start3A_116 = tpu.memref_slice %arg18[%add3A_14, %dma_start3A_115] : memref<10240x128xf32, #tpu.memory_space<vmem_shared>> -> memref<128x128xf32, #tpu.memory_space<vmem_shared>>
      tpu.enqueue_dma source(%arg14 : memref<128x128xf32, #tpu.memory_space<vmem>>) target(%dma_start3A_116 : memref<128x128xf32, #tpu.memory_space<vmem_shared>>) target_semaphore(%run_scoped3A : memref<!tpu.dma_semaphore, #tpu.memory_space<semaphore_mem>>)
      %dma_wait3A_117 = arith.constant 0 : i32
      %dma_wait3A_118 = tpu.memref_slice %arg18[%add3A_14, %dma_wait3A_117] : memref<10240x128xf32, #tpu.memory_space<vmem_shared>> -> memref<128x128xf32, #tpu.memory_space<vmem_shared>>
      %dma_wait3A_119 = arith.constant 0 : i32
      %dma_wait3A_120 = tpu.memref_slice %arg18[%add3A_14, %dma_wait3A_119] : memref<10240x128xf32, #tpu.memory_space<vmem_shared>> -> memref<128x128xf32, #tpu.memory_space<vmem_shared>>
      tpu.wait_dma2 semaphore(%run_scoped3A : memref<!tpu.dma_semaphore, #tpu.memory_space<semaphore_mem>>) src(%arg14 : memref<128x128xf32, #tpu.memory_space<vmem>>) dst(%dma_wait3A_120 : memref<128x128xf32, #tpu.memory_space<vmem_shared>>)
      tpu.yield
    }) : () -> ()
    %mul3A_15 = arith.constant 640 : i32
    %mul3A_16 = arith.muli %arg1, %mul3A_15 : i32
    %add3A_17 = arith.constant 256 : i32
    %add3A_18 = arith.addi %mul3A_16, %add3A_17 : i32
    "tpu.region"() ({
      %run_scoped3A = tpu.sem_alloc : memref<!tpu.dma_semaphore, #tpu.memory_space<semaphore_mem>>
      %dma_start3A_113 = arith.constant 0 : i32
      %dma_start3A_114 = tpu.memref_slice %arg18[%add3A_18, %dma_start3A_113] : memref<10240x128xf32, #tpu.memory_space<vmem_shared>> -> memref<128x128xf32, #tpu.memory_space<vmem_shared>>
      %dma_start3A_115 = arith.constant 0 : i32
      %dma_start3A_116 = tpu.memref_slice %arg18[%add3A_18, %dma_start3A_115] : memref<10240x128xf32, #tpu.memory_space<vmem_shared>> -> memref<128x128xf32, #tpu.memory_space<vmem_shared>>
      tpu.enqueue_dma source(%arg14 : memref<128x128xf32, #tpu.memory_space<vmem>>) target(%dma_start3A_116 : memref<128x128xf32, #tpu.memory_space<vmem_shared>>) target_semaphore(%run_scoped3A : memref<!tpu.dma_semaphore, #tpu.memory_space<semaphore_mem>>)
      %dma_wait3A_117 = arith.constant 0 : i32
      %dma_wait3A_118 = tpu.memref_slice %arg18[%add3A_18, %dma_wait3A_117] : memref<10240x128xf32, #tpu.memory_space<vmem_shared>> -> memref<128x128xf32, #tpu.memory_space<vmem_shared>>
      %dma_wait3A_119 = arith.constant 0 : i32
      %dma_wait3A_120 = tpu.memref_slice %arg18[%add3A_18, %dma_wait3A_119] : memref<10240x128xf32, #tpu.memory_space<vmem_shared>> -> memref<128x128xf32, #tpu.memory_space<vmem_shared>>
      tpu.wait_dma2 semaphore(%run_scoped3A : memref<!tpu.dma_semaphore, #tpu.memory_space<semaphore_mem>>) src(%arg14 : memref<128x128xf32, #tpu.memory_space<vmem>>) dst(%dma_wait3A_120 : memref<128x128xf32, #tpu.memory_space<vmem_shared>>)
      tpu.yield
    }) : () -> ()
    %mul3A_19 = arith.constant 640 : i32
    %mul3A_20 = arith.muli %arg1, %mul3A_19 : i32
    %add3A_21 = arith.constant 384 : i32
    %add3A_22 = arith.addi %mul3A_20, %add3A_21 : i32
    "tpu.region"() ({
      %run_scoped3A = tpu.sem_alloc : memref<!tpu.dma_semaphore, #tpu.memory_space<semaphore_mem>>
      %dma_start3A_113 = arith.constant 0 : i32
      %dma_start3A_114 = tpu.memref_slice %arg18[%add3A_22, %dma_start3A_113] : memref<10240x128xf32, #tpu.memory_space<vmem_shared>> -> memref<128x128xf32, #tpu.memory_space<vmem_shared>>
      %dma_start3A_115 = arith.constant 0 : i32
      %dma_start3A_116 = tpu.memref_slice %arg18[%add3A_22, %dma_start3A_115] : memref<10240x128xf32, #tpu.memory_space<vmem_shared>> -> memref<128x128xf32, #tpu.memory_space<vmem_shared>>
      tpu.enqueue_dma source(%arg14 : memref<128x128xf32, #tpu.memory_space<vmem>>) target(%dma_start3A_116 : memref<128x128xf32, #tpu.memory_space<vmem_shared>>) target_semaphore(%run_scoped3A : memref<!tpu.dma_semaphore, #tpu.memory_space<semaphore_mem>>)
      %dma_wait3A_117 = arith.constant 0 : i32
      %dma_wait3A_118 = tpu.memref_slice %arg18[%add3A_22, %dma_wait3A_117] : memref<10240x128xf32, #tpu.memory_space<vmem_shared>> -> memref<128x128xf32, #tpu.memory_space<vmem_shared>>
      %dma_wait3A_119 = arith.constant 0 : i32
      %dma_wait3A_120 = tpu.memref_slice %arg18[%add3A_22, %dma_wait3A_119] : memref<10240x128xf32, #tpu.memory_space<vmem_shared>> -> memref<128x128xf32, #tpu.memory_space<vmem_shared>>
      tpu.wait_dma2 semaphore(%run_scoped3A : memref<!tpu.dma_semaphore, #tpu.memory_space<semaphore_mem>>) src(%arg14 : memref<128x128xf32, #tpu.memory_space<vmem>>) dst(%dma_wait3A_120 : memref<128x128xf32, #tpu.memory_space<vmem_shared>>)
      tpu.yield
    }) : () -> ()
    %mul3A_23 = arith.constant 640 : i32
    %mul3A_24 = arith.muli %arg1, %mul3A_23 : i32
    %add3A_25 = arith.constant 512 : i32
    %add3A_26 = arith.addi %mul3A_24, %add3A_25 : i32
    "tpu.region"() ({
      %run_scoped3A = tpu.sem_alloc : memref<!tpu.dma_semaphore, #tpu.memory_space<semaphore_mem>>
      %dma_start3A_113 = arith.constant 0 : i32
      %dma_start3A_114 = tpu.memref_slice %arg18[%add3A_26, %dma_start3A_113] : memref<10240x128xf32, #tpu.memory_space<vmem_shared>> -> memref<128x128xf32, #tpu.memory_space<vmem_shared>>
      %dma_start3A_115 = arith.constant 0 : i32
      %dma_start3A_116 = tpu.memref_slice %arg18[%add3A_26, %dma_start3A_115] : memref<10240x128xf32, #tpu.memory_space<vmem_shared>> -> memref<128x128xf32, #tpu.memory_space<vmem_shared>>
      tpu.enqueue_dma source(%arg14 : memref<128x128xf32, #tpu.memory_space<vmem>>) target(%dma_start3A_116 : memref<128x128xf32, #tpu.memory_space<vmem_shared>>) target_semaphore(%run_scoped3A : memref<!tpu.dma_semaphore, #tpu.memory_space<semaphore_mem>>)
      %dma_wait3A_117 = arith.constant 0 : i32
      %dma_wait3A_118 = tpu.memref_slice %arg18[%add3A_26, %dma_wait3A_117] : memref<10240x128xf32, #tpu.memory_space<vmem_shared>> -> memref<128x128xf32, #tpu.memory_space<vmem_shared>>
      %dma_wait3A_119 = arith.constant 0 : i32
      %dma_wait3A_120 = tpu.memref_slice %arg18[%add3A_26, %dma_wait3A_119] : memref<10240x128xf32, #tpu.memory_space<vmem_shared>> -> memref<128x128xf32, #tpu.memory_space<vmem_shared>>
      tpu.wait_dma2 semaphore(%run_scoped3A : memref<!tpu.dma_semaphore, #tpu.memory_space<semaphore_mem>>) src(%arg14 : memref<128x128xf32, #tpu.memory_space<vmem>>) dst(%dma_wait3A_120 : memref<128x128xf32, #tpu.memory_space<vmem_shared>>)
      tpu.yield
    }) : () -> ()
    "tpu.region"() ({
      %run_scoped3A = tpu.sem_alloc : memref<!tpu.dma_semaphore, #tpu.memory_space<semaphore_mem>>
      %dma_start3A_113 = arith.constant 0 : i32
      %dma_start3A_114 = arith.constant 0 : i32
      %dma_start3A_115 = tpu.memref_slice %arg2[%add3A, %dma_start3A_113, %dma_start3A_114] : memref<32x80x128xi32, #tpu.memory_space<hbm>> -> memref<1x80x128xi32, #tpu.memory_space<hbm>>
      %dma_start3A_116 = tpu.memref_squeeze %dma_start3A_115 : memref<1x80x128xi32, #tpu.memory_space<hbm>> -> memref<80x128xi32, #tpu.memory_space<hbm>>
      %dma_start3A_117 = arith.constant 0 : i32
      %dma_start3A_118 = arith.constant 0 : i32
      %dma_start3A_119 = tpu.memref_slice %arg2[%add3A, %dma_start3A_117, %dma_start3A_118] : memref<32x80x128xi32, #tpu.memory_space<hbm>> -> memref<1x80x128xi32, #tpu.memory_space<hbm>>
      %dma_start3A_120 = tpu.memref_squeeze %dma_start3A_119 : memref<1x80x128xi32, #tpu.memory_space<hbm>> -> memref<80x128xi32, #tpu.memory_space<hbm>>
      tpu.enqueue_dma source(%dma_start3A_120 : memref<80x128xi32, #tpu.memory_space<hbm>>) target(%arg5 : memref<80x128xi32, #tpu.memory_space<vmem>>) target_semaphore(%run_scoped3A : memref<!tpu.dma_semaphore, #tpu.memory_space<semaphore_mem>>)
      %dma_wait3A_121 = arith.constant 0 : i32
      %dma_wait3A_122 = arith.constant 0 : i32
      %dma_wait3A_123 = tpu.memref_slice %arg2[%add3A, %dma_wait3A_121, %dma_wait3A_122] : memref<32x80x128xi32, #tpu.memory_space<hbm>> -> memref<1x80x128xi32, #tpu.memory_space<hbm>>
      %dma_wait3A_124 = tpu.memref_squeeze %dma_wait3A_123 : memref<1x80x128xi32, #tpu.memory_space<hbm>> -> memref<80x128xi32, #tpu.memory_space<hbm>>
      %dma_wait3A_125 = arith.constant 0 : i32
      %dma_wait3A_126 = arith.constant 0 : i32
      %dma_wait3A_127 = tpu.memref_slice %arg2[%add3A, %dma_wait3A_125, %dma_wait3A_126] : memref<32x80x128xi32, #tpu.memory_space<hbm>> -> memref<1x80x128xi32, #tpu.memory_space<hbm>>
      %dma_wait3A_128 = tpu.memref_squeeze %dma_wait3A_127 : memref<1x80x128xi32, #tpu.memory_space<hbm>> -> memref<80x128xi32, #tpu.memory_space<hbm>>
      tpu.wait_dma2 semaphore(%run_scoped3A : memref<!tpu.dma_semaphore, #tpu.memory_space<semaphore_mem>>) src(%dma_wait3A_128 : memref<80x128xi32, #tpu.memory_space<hbm>>) dst(%arg5 : memref<80x128xi32, #tpu.memory_space<vmem>>)
      tpu.yield
    }) : () -> ()
    %barrier3A = arith.constant 0 : index
    tpu.barrier barrier_id(%barrier3A)
    %scan3A_27 = arith.constant 0 : i32
    %scan3A_28 = arith.constant 0 : i32
    %scan3A_29 = arith.constant 8 : i32
    %scan3A_30 = arith.addi %scan3A_28, %scan3A_29 : i32
    %scan3A_31 = arith.constant 1 : i32
    %scan3A_32 = scf.for %scan3A_113 = %scan3A_28 to %scan3A_30 step %scan3A_31 iter_args(%scan3A_114 = %scan3A_27) -> (i32)  : i32 {
      %mul3A_115 = arith.constant 16 : i32
      %mul3A_116 = arith.muli %scan3A_113, %mul3A_115 : i32
      %get3A = arith.constant 0 : i32
      %get3A_117 = arith.index_cast %get3A : i32 to index
      %get3A_118 = arith.index_cast %mul3A_116 : i32 to index
      %get3A_119 = tpu.vector_load %arg5[%get3A_117, %get3A_118] {strides = array<i32>} : memref<80x128xi32, #tpu.memory_space<vmem>>, vector<1x16xi32>,
      %get3A_120 = vector.shape_cast %get3A_119 : vector<1x16xi32> to vector<16xi32>
      %shift_right_logical3A = arith.constant 14 : i32
      %shift_right_logical3A_121 = vector.broadcast %shift_right_logical3A : i32 to vector<16xi32>
      %shift_right_logical3A_122 = arith.shrui %get3A_120, %shift_right_logical3A_121 : vector<16xi32>
      %mul3A_123 = arith.constant 16 : i32
      %mul3A_124 = arith.muli %scan3A_113, %mul3A_123 : i32
      %swap3A = arith.index_cast %mul3A_124 : i32 to index
      %swap3A_125 = tpu.vector_load %arg6[%swap3A] {strides = array<i32>} : memref<128xi32, #tpu.memory_space<vmem>>, vector<16xi32>,
      %swap3A_126 = vector.shape_cast %swap3A_125 : vector<16xi32> to vector<16xi32>
      %swap3A_127 = vector.shape_cast %shift_right_logical3A_122 : vector<16xi32> to vector<16xi32>
      tpu.vector_store %arg6[%swap3A], %swap3A_127 {strides = array<i32>} : memref<128xi32, #tpu.memory_space<vmem>>, vector<16xi32>,
      %and3A = arith.constant 16383 : i32
      %and3A_128 = vector.broadcast %and3A : i32 to vector<16xi32>
      %and3A_129 = arith.andi %get3A_120, %and3A_128 : vector<16xi32>
      %mul3A_130 = arith.constant 16 : i32
      %mul3A_131 = arith.muli %scan3A_113, %mul3A_130 : i32
      %swap3A_132 = arith.index_cast %mul3A_131 : i32 to index
      %swap3A_133 = tpu.vector_load %arg10[%swap3A_132] {strides = array<i32>} : memref<128xi32, #tpu.memory_space<vmem>>, vector<16xi32>,
      %swap3A_134 = vector.shape_cast %swap3A_133 : vector<16xi32> to vector<16xi32>
      %swap3A_135 = vector.shape_cast %and3A_129 : vector<16xi32> to vector<16xi32>
      tpu.vector_store %arg10[%swap3A_132], %swap3A_135 {strides = array<i32>} : memref<128xi32, #tpu.memory_space<vmem>>, vector<16xi32>,
      %scan3A_136 = arith.constant 0 : i32
      scf.yield %scan3A_136 : i32
    }
    %scan3A_33 = arith.constant 8 : i32
    %dma_start3A = arith.constant 0 : i32
    %dma_start3A_34 = arith.constant 0 : i32
    %dma_start3A_35 = tpu.memref_slice %arg3[%dma_start3A, %dma_start3A_34] : memref<10000x128xf32, #tpu.memory_space<hbm>> -> memref<10000x128xf32, #tpu.memory_space<hbm>>
    tpu.enqueue_indirect_dma source(%dma_start3A_35 : memref<10000x128xf32, #tpu.memory_space<hbm>>) target(%arg14 : memref<128x128xf32, #tpu.memory_space<vmem>>) offsets(%arg6 : memref<128xi32, #tpu.memory_space<vmem>>) semaphore(%arg16 : memref<!tpu.dma_semaphore, #tpu.memory_space<semaphore_mem>>)
    %scan3A_36 = arith.constant 0 : i32
    %scan3A_37 = arith.constant 0 : i32
    %scan3A_38 = arith.constant 8 : i32
    %scan3A_39 = arith.addi %scan3A_37, %scan3A_38 : i32
    %scan3A_40 = arith.constant 1 : i32
    %scan3A_41 = scf.for %scan3A_113 = %scan3A_37 to %scan3A_39 step %scan3A_40 iter_args(%scan3A_114 = %scan3A_36) -> (i32)  : i32 {
      %mul3A_115 = arith.constant 16 : i32
      %mul3A_116 = arith.muli %scan3A_113, %mul3A_115 : i32
      %get3A = arith.constant 1 : i32
      %get3A_117 = arith.index_cast %get3A : i32 to index
      %get3A_118 = arith.index_cast %mul3A_116 : i32 to index
      %get3A_119 = tpu.vector_load %arg5[%get3A_117, %get3A_118] {strides = array<i32>} : memref<80x128xi32, #tpu.memory_space<vmem>>, vector<1x16xi32>,
      %get3A_120 = vector.shape_cast %get3A_119 : vector<1x16xi32> to vector<16xi32>
      %shift_right_logical3A = arith.constant 14 : i32
      %shift_right_logical3A_121 = vector.broadcast %shift_right_logical3A : i32 to vector<16xi32>
      %shift_right_logical3A_122 = arith.shrui %get3A_120, %shift_right_logical3A_121 : vector<16xi32>
      %mul3A_123 = arith.constant 16 : i32
      %mul3A_124 = arith.muli %scan3A_113, %mul3A_123 : i32
      %swap3A = arith.index_cast %mul3A_124 : i32 to index
      %swap3A_125 = tpu.vector_load %arg7[%swap3A] {strides = array<i32>} : memref<128xi32, #tpu.memory_space<vmem>>, vector<16xi32>,
      %swap3A_126 = vector.shape_cast %swap3A_125 : vector<16xi32> to vector<16xi32>
      %swap3A_127 = vector.shape_cast %shift_right_logical3A_122 : vector<16xi32> to vector<16xi32>
      tpu.vector_store %arg7[%swap3A], %swap3A_127 {strides = array<i32>} : memref<128xi32, #tpu.memory_space<vmem>>, vector<16xi32>,
      %and3A = arith.constant 16383 : i32
      %and3A_128 = vector.broadcast %and3A : i32 to vector<16xi32>
      %and3A_129 = arith.andi %get3A_120, %and3A_128 : vector<16xi32>
      %mul3A_130 = arith.constant 16 : i32
      %mul3A_131 = arith.muli %scan3A_113, %mul3A_130 : i32
      %swap3A_132 = arith.index_cast %mul3A_131 : i32 to index
      %swap3A_133 = tpu.vector_load %arg11[%swap3A_132] {strides = array<i32>} : memref<128xi32, #tpu.memory_space<vmem>>, vector<16xi32>,
      %swap3A_134 = vector.shape_cast %swap3A_133 : vector<16xi32> to vector<16xi32>
      %swap3A_135 = vector.shape_cast %and3A_129 : vector<16xi32> to vector<16xi32>
      tpu.vector_store %arg11[%swap3A_132], %swap3A_135 {strides = array<i32>} : memref<128xi32, #tpu.memory_space<vmem>>, vector<16xi32>,
      %scan3A_136 = arith.constant 0 : i32
      scf.yield %scan3A_136 : i32
    }
    %scan3A_42 = arith.constant 8 : i32
    %dma_wait3A = arith.constant 0 : i32
    %dma_wait3A_43 = arith.constant 0 : i32
    %dma_wait3A_44 = tpu.memref_slice %arg3[%dma_wait3A, %dma_wait3A_43] : memref<10000x128xf32, #tpu.memory_space<hbm>> -> memref<10000x128xf32, #tpu.memory_space<hbm>>
    tpu.wait_indirect_dma semaphore(%arg16 : memref<!tpu.dma_semaphore, #tpu.memory_space<semaphore_mem>>) src(%dma_wait3A_44 : memref<10000x128xf32, #tpu.memory_space<hbm>>) dst(%arg14 : memref<128x128xf32, #tpu.memory_space<vmem>>)
    %dma_start3A_45 = arith.constant 0 : i32
    %dma_start3A_46 = arith.constant 0 : i32
    %dma_start3A_47 = tpu.memref_slice %arg18[%dma_start3A_45, %dma_start3A_46] : memref<10240x128xf32, #tpu.memory_space<vmem_shared>> -> memref<10240x128xf32, #tpu.memory_space<vmem_shared>>
    tpu.enqueue_indirect_dma source(%arg14 : memref<128x128xf32, #tpu.memory_space<vmem>>) target(%dma_start3A_47 : memref<10240x128xf32, #tpu.memory_space<vmem_shared>>) offsets(%arg10 : memref<128xi32, #tpu.memory_space<vmem>>) semaphore(%arg17 : memref<!tpu.dma_semaphore, #tpu.memory_space<semaphore_mem>>) {add = true}
    %dma_start3A_48 = arith.constant 0 : i32
    %dma_start3A_49 = arith.constant 0 : i32
    %dma_start3A_50 = tpu.memref_slice %arg3[%dma_start3A_48, %dma_start3A_49] : memref<10000x128xf32, #tpu.memory_space<hbm>> -> memref<10000x128xf32, #tpu.memory_space<hbm>>
    tpu.enqueue_indirect_dma source(%dma_start3A_50 : memref<10000x128xf32, #tpu.memory_space<hbm>>) target(%arg15 : memref<128x128xf32, #tpu.memory_space<vmem>>) offsets(%arg7 : memref<128xi32, #tpu.memory_space<vmem>>) semaphore(%arg16 : memref<!tpu.dma_semaphore, #tpu.memory_space<semaphore_mem>>)
    %scan3A_51 = arith.constant 0 : i32
    %scan3A_52 = arith.constant 0 : i32
    %scan3A_53 = arith.constant 8 : i32
    %scan3A_54 = arith.addi %scan3A_52, %scan3A_53 : i32
    %scan3A_55 = arith.constant 1 : i32
    %scan3A_56 = scf.for %scan3A_113 = %scan3A_52 to %scan3A_54 step %scan3A_55 iter_args(%scan3A_114 = %scan3A_51) -> (i32)  : i32 {
      %mul3A_115 = arith.constant 16 : i32
      %mul3A_116 = arith.muli %scan3A_113, %mul3A_115 : i32
      %get3A = arith.constant 2 : i32
      %get3A_117 = arith.index_cast %get3A : i32 to index
      %get3A_118 = arith.index_cast %mul3A_116 : i32 to index
      %get3A_119 = tpu.vector_load %arg5[%get3A_117, %get3A_118] {strides = array<i32>} : memref<80x128xi32, #tpu.memory_space<vmem>>, vector<1x16xi32>,
      %get3A_120 = vector.shape_cast %get3A_119 : vector<1x16xi32> to vector<16xi32>
      %shift_right_logical3A = arith.constant 14 : i32
      %shift_right_logical3A_121 = vector.broadcast %shift_right_logical3A : i32 to vector<16xi32>
      %shift_right_logical3A_122 = arith.shrui %get3A_120, %shift_right_logical3A_121 : vector<16xi32>
      %mul3A_123 = arith.constant 16 : i32
      %mul3A_124 = arith.muli %scan3A_113, %mul3A_123 : i32
      %swap3A = arith.index_cast %mul3A_124 : i32 to index
      %swap3A_125 = tpu.vector_load %arg8[%swap3A] {strides = array<i32>} : memref<128xi32, #tpu.memory_space<vmem>>, vector<16xi32>,
      %swap3A_126 = vector.shape_cast %swap3A_125 : vector<16xi32> to vector<16xi32>
      %swap3A_127 = vector.shape_cast %shift_right_logical3A_122 : vector<16xi32> to vector<16xi32>
      tpu.vector_store %arg8[%swap3A], %swap3A_127 {strides = array<i32>} : memref<128xi32, #tpu.memory_space<vmem>>, vector<16xi32>,
      %and3A = arith.constant 16383 : i32
      %and3A_128 = vector.broadcast %and3A : i32 to vector<16xi32>
      %and3A_129 = arith.andi %get3A_120, %and3A_128 : vector<16xi32>
      %mul3A_130 = arith.constant 16 : i32
      %mul3A_131 = arith.muli %scan3A_113, %mul3A_130 : i32
      %swap3A_132 = arith.index_cast %mul3A_131 : i32 to index
      %swap3A_133 = tpu.vector_load %arg12[%swap3A_132] {strides = array<i32>} : memref<128xi32, #tpu.memory_space<vmem>>, vector<16xi32>,
      %swap3A_134 = vector.shape_cast %swap3A_133 : vector<16xi32> to vector<16xi32>
      %swap3A_135 = vector.shape_cast %and3A_129 : vector<16xi32> to vector<16xi32>
      tpu.vector_store %arg12[%swap3A_132], %swap3A_135 {strides = array<i32>} : memref<128xi32, #tpu.memory_space<vmem>>, vector<16xi32>,
      %scan3A_136 = arith.constant 0 : i32
      scf.yield %scan3A_136 : i32
    }
    %scan3A_57 = arith.constant 8 : i32
    %scan3A_58 = arith.constant 0 : i32
    %scan3A_59 = arith.constant 0 : i32
    %scan3A_60 = arith.constant 19 : i32
    %scan3A_61 = arith.addi %scan3A_59, %scan3A_60 : i32
    %scan3A_62 = arith.constant 1 : i32
    %scan3A_63 = scf.for %scan3A_113 = %scan3A_59 to %scan3A_61 step %scan3A_62 iter_args(%scan3A_114 = %scan3A_58) -> (i32)  : i32 {
      %mul3A_115 = arith.constant 4 : i32
      %mul3A_116 = arith.muli %mul3A_115, %scan3A_113 : i32
      %add3A_117 = arith.constant 1 : i32
      %add3A_118 = arith.addi %mul3A_116, %add3A_117 : i32
      %dma_wait3A_119 = arith.constant 0 : i32
      %dma_wait3A_120 = arith.constant 0 : i32
      %dma_wait3A_121 = tpu.memref_slice %arg3[%dma_wait3A_119, %dma_wait3A_120] : memref<10000x128xf32, #tpu.memory_space<hbm>> -> memref<10000x128xf32, #tpu.memory_space<hbm>>
      tpu.wait_indirect_dma semaphore(%arg16 : memref<!tpu.dma_semaphore, #tpu.memory_space<semaphore_mem>>) src(%dma_wait3A_121 : memref<10000x128xf32, #tpu.memory_space<hbm>>) dst(%arg15 : memref<128x128xf32, #tpu.memory_space<vmem>>)
      %dma_start3A_122 = arith.constant 0 : i32
      %dma_start3A_123 = arith.constant 0 : i32
      %dma_start3A_124 = tpu.memref_slice %arg18[%dma_start3A_122, %dma_start3A_123] : memref<10240x128xf32, #tpu.memory_space<vmem_shared>> -> memref<10240x128xf32, #tpu.memory_space<vmem_shared>>
      tpu.enqueue_indirect_dma source(%arg15 : memref<128x128xf32, #tpu.memory_space<vmem>>) target(%dma_start3A_124 : memref<10240x128xf32, #tpu.memory_space<vmem_shared>>) offsets(%arg11 : memref<128xi32, #tpu.memory_space<vmem>>) semaphore(%arg17 : memref<!tpu.dma_semaphore, #tpu.memory_space<semaphore_mem>>) {add = true}
      %dma_wait3A_125 = arith.constant 0 : i32
      %dma_wait3A_126 = arith.constant 0 : i32
      %dma_wait3A_127 = tpu.memref_slice %arg18[%dma_wait3A_125, %dma_wait3A_126] : memref<10240x128xf32, #tpu.memory_space<vmem_shared>> -> memref<10240x128xf32, #tpu.memory_space<vmem_shared>>
      tpu.wait_indirect_dma semaphore(%arg17 : memref<!tpu.dma_semaphore, #tpu.memory_space<semaphore_mem>>) src(%arg14 : memref<128x128xf32, #tpu.memory_space<vmem>>) dst(%dma_wait3A_127 : memref<10240x128xf32, #tpu.memory_space<vmem_shared>>)
      %add3A_128 = arith.constant 1 : i32
      %add3A_129 = arith.addi %add3A_118, %add3A_128 : i32
      %dma_start3A_130 = arith.constant 0 : i32
      %dma_start3A_131 = arith.constant 0 : i32
      %dma_start3A_132 = tpu.memref_slice %arg3[%dma_start3A_130, %dma_start3A_131] : memref<10000x128xf32, #tpu.memory_space<hbm>> -> memref<10000x128xf32, #tpu.memory_space<hbm>>
      tpu.enqueue_indirect_dma source(%dma_start3A_132 : memref<10000x128xf32, #tpu.memory_space<hbm>>) target(%arg14 : memref<128x128xf32, #tpu.memory_space<vmem>>) offsets(%arg8 : memref<128xi32, #tpu.memory_space<vmem>>) semaphore(%arg16 : memref<!tpu.dma_semaphore, #tpu.memory_space<semaphore_mem>>)
      %add3A_133 = arith.constant 2 : i32
      %add3A_134 = arith.addi %add3A_118, %add3A_133 : i32
      %scan3A_135 = arith.constant 0 : i32
      %scan3A_136 = arith.constant 0 : i32
      %scan3A_137 = arith.constant 8 : i32
      %scan3A_138 = arith.addi %scan3A_136, %scan3A_137 : i32
      %scan3A_139 = arith.constant 1 : i32
      %scan3A_140 = scf.for %scan3A_212 = %scan3A_136 to %scan3A_138 step %scan3A_139 iter_args(%scan3A_213 = %scan3A_135) -> (i32)  : i32 {
        %mul3A_214 = arith.constant 16 : i32
        %mul3A_215 = arith.muli %scan3A_212, %mul3A_214 : i32
        %get3A = arith.index_cast %add3A_134 : i32 to index
        %get3A_216 = arith.index_cast %mul3A_215 : i32 to index
        %get3A_217 = tpu.vector_load %arg5[%get3A, %get3A_216] {strides = array<i32>} : memref<80x128xi32, #tpu.memory_space<vmem>>, vector<1x16xi32>,
        %get3A_218 = vector.shape_cast %get3A_217 : vector<1x16xi32> to vector<16xi32>
        %shift_right_logical3A = arith.constant 14 : i32
        %shift_right_logical3A_219 = vector.broadcast %shift_right_logical3A : i32 to vector<16xi32>
        %shift_right_logical3A_220 = arith.shrui %get3A_218, %shift_right_logical3A_219 : vector<16xi32>
        %mul3A_221 = arith.constant 16 : i32
        %mul3A_222 = arith.muli %scan3A_212, %mul3A_221 : i32
        %swap3A = arith.index_cast %mul3A_222 : i32 to index
        %swap3A_223 = tpu.vector_load %arg9[%swap3A] {strides = array<i32>} : memref<128xi32, #tpu.memory_space<vmem>>, vector<16xi32>,
        %swap3A_224 = vector.shape_cast %swap3A_223 : vector<16xi32> to vector<16xi32>
        %swap3A_225 = vector.shape_cast %shift_right_logical3A_220 : vector<16xi32> to vector<16xi32>
        tpu.vector_store %arg9[%swap3A], %swap3A_225 {strides = array<i32>} : memref<128xi32, #tpu.memory_space<vmem>>, vector<16xi32>,
        %and3A = arith.constant 16383 : i32
        %and3A_226 = vector.broadcast %and3A : i32 to vector<16xi32>
        %and3A_227 = arith.andi %get3A_218, %and3A_226 : vector<16xi32>
        %mul3A_228 = arith.constant 16 : i32
        %mul3A_229 = arith.muli %scan3A_212, %mul3A_228 : i32
        %swap3A_230 = arith.index_cast %mul3A_229 : i32 to index
        %swap3A_231 = tpu.vector_load %arg13[%swap3A_230] {strides = array<i32>} : memref<128xi32, #tpu.memory_space<vmem>>, vector<16xi32>,
        %swap3A_232 = vector.shape_cast %swap3A_231 : vector<16xi32> to vector<16xi32>
        %swap3A_233 = vector.shape_cast %and3A_227 : vector<16xi32> to vector<16xi32>
        tpu.vector_store %arg13[%swap3A_230], %swap3A_233 {strides = array<i32>} : memref<128xi32, #tpu.memory_space<vmem>>, vector<16xi32>,
        %scan3A_234 = arith.constant 0 : i32
        scf.yield %scan3A_234 : i32
      }
      %scan3A_141 = arith.constant 8 : i32
      %dma_wait3A_142 = arith.constant 0 : i32
      %dma_wait3A_143 = arith.constant 0 : i32
      %dma_wait3A_144 = tpu.memref_slice %arg3[%dma_wait3A_142, %dma_wait3A_143] : memref<10000x128xf32, #tpu.memory_space<hbm>> -> memref<10000x128xf32, #tpu.memory_space<hbm>>
      tpu.wait_indirect_dma semaphore(%arg16 : memref<!tpu.dma_semaphore, #tpu.memory_space<semaphore_mem>>) src(%dma_wait3A_144 : memref<10000x128xf32, #tpu.memory_space<hbm>>) dst(%arg14 : memref<128x128xf32, #tpu.memory_space<vmem>>)
      %dma_start3A_145 = arith.constant 0 : i32
      %dma_start3A_146 = arith.constant 0 : i32
      %dma_start3A_147 = tpu.memref_slice %arg18[%dma_start3A_145, %dma_start3A_146] : memref<10240x128xf32, #tpu.memory_space<vmem_shared>> -> memref<10240x128xf32, #tpu.memory_space<vmem_shared>>
      tpu.enqueue_indirect_dma source(%arg14 : memref<128x128xf32, #tpu.memory_space<vmem>>) target(%dma_start3A_147 : memref<10240x128xf32, #tpu.memory_space<vmem_shared>>) offsets(%arg12 : memref<128xi32, #tpu.memory_space<vmem>>) semaphore(%arg17 : memref<!tpu.dma_semaphore, #tpu.memory_space<semaphore_mem>>) {add = true}
      %dma_wait3A_148 = arith.constant 0 : i32
      %dma_wait3A_149 = arith.constant 0 : i32
      %dma_wait3A_150 = tpu.memref_slice %arg18[%dma_wait3A_148, %dma_wait3A_149] : memref<10240x128xf32, #tpu.memory_space<vmem_shared>> -> memref<10240x128xf32, #tpu.memory_space<vmem_shared>>
      tpu.wait_indirect_dma semaphore(%arg17 : memref<!tpu.dma_semaphore, #tpu.memory_space<semaphore_mem>>) src(%arg15 : memref<128x128xf32, #tpu.memory_space<vmem>>) dst(%dma_wait3A_150 : memref<10240x128xf32, #tpu.memory_space<vmem_shared>>)
      %add3A_151 = arith.constant 2 : i32
      %add3A_152 = arith.addi %add3A_118, %add3A_151 : i32
      %dma_start3A_153 = arith.constant 0 : i32
      %dma_start3A_154 = arith.constant 0 : i32
      %dma_start3A_155 = tpu.memref_slice %arg3[%dma_start3A_153, %dma_start3A_154] : memref<10000x128xf32, #tpu.memory_space<hbm>> -> memref<10000x128xf32, #tpu.memory_space<hbm>>
      tpu.enqueue_indirect_dma source(%dma_start3A_155 : memref<10000x128xf32, #tpu.memory_space<hbm>>) target(%arg15 : memref<128x128xf32, #tpu.memory_space<vmem>>) offsets(%arg9 : memref<128xi32, #tpu.memory_space<vmem>>) semaphore(%arg16 : memref<!tpu.dma_semaphore, #tpu.memory_space<semaphore_mem>>)
      %add3A_156 = arith.constant 3 : i32
      %add3A_157 = arith.addi %add3A_118, %add3A_156 : i32
      %scan3A_158 = arith.constant 0 : i32
      %scan3A_159 = arith.constant 0 : i32
      %scan3A_160 = arith.constant 8 : i32
      %scan3A_161 = arith.addi %scan3A_159, %scan3A_160 : i32
      %scan3A_162 = arith.constant 1 : i32
      %scan3A_163 = scf.for %scan3A_212 = %scan3A_159 to %scan3A_161 step %scan3A_162 iter_args(%scan3A_213 = %scan3A_158) -> (i32)  : i32 {
        %mul3A_214 = arith.constant 16 : i32
        %mul3A_215 = arith.muli %scan3A_212, %mul3A_214 : i32
        %get3A = arith.index_cast %add3A_157 : i32 to index
        %get3A_216 = arith.index_cast %mul3A_215 : i32 to index
        %get3A_217 = tpu.vector_load %arg5[%get3A, %get3A_216] {strides = array<i32>} : memref<80x128xi32, #tpu.memory_space<vmem>>, vector<1x16xi32>,
        %get3A_218 = vector.shape_cast %get3A_217 : vector<1x16xi32> to vector<16xi32>
        %shift_right_logical3A = arith.constant 14 : i32
        %shift_right_logical3A_219 = vector.broadcast %shift_right_logical3A : i32 to vector<16xi32>
        %shift_right_logical3A_220 = arith.shrui %get3A_218, %shift_right_logical3A_219 : vector<16xi32>
        %mul3A_221 = arith.constant 16 : i32
        %mul3A_222 = arith.muli %scan3A_212, %mul3A_221 : i32
        %swap3A = arith.index_cast %mul3A_222 : i32 to index
        %swap3A_223 = tpu.vector_load %arg6[%swap3A] {strides = array<i32>} : memref<128xi32, #tpu.memory_space<vmem>>, vector<16xi32>,
        %swap3A_224 = vector.shape_cast %swap3A_223 : vector<16xi32> to vector<16xi32>
        %swap3A_225 = vector.shape_cast %shift_right_logical3A_220 : vector<16xi32> to vector<16xi32>
        tpu.vector_store %arg6[%swap3A], %swap3A_225 {strides = array<i32>} : memref<128xi32, #tpu.memory_space<vmem>>, vector<16xi32>,
        %and3A = arith.constant 16383 : i32
        %and3A_226 = vector.broadcast %and3A : i32 to vector<16xi32>
        %and3A_227 = arith.andi %get3A_218, %and3A_226 : vector<16xi32>
        %mul3A_228 = arith.constant 16 : i32
        %mul3A_229 = arith.muli %scan3A_212, %mul3A_228 : i32
        %swap3A_230 = arith.index_cast %mul3A_229 : i32 to index
        %swap3A_231 = tpu.vector_load %arg10[%swap3A_230] {strides = array<i32>} : memref<128xi32, #tpu.memory_space<vmem>>, vector<16xi32>,
        %swap3A_232 = vector.shape_cast %swap3A_231 : vector<16xi32> to vector<16xi32>
        %swap3A_233 = vector.shape_cast %and3A_227 : vector<16xi32> to vector<16xi32>
        tpu.vector_store %arg10[%swap3A_230], %swap3A_233 {strides = array<i32>} : memref<128xi32, #tpu.memory_space<vmem>>, vector<16xi32>,
        %scan3A_234 = arith.constant 0 : i32
        scf.yield %scan3A_234 : i32
      }
      %scan3A_164 = arith.constant 8 : i32
      %dma_wait3A_165 = arith.constant 0 : i32
      %dma_wait3A_166 = arith.constant 0 : i32
      %dma_wait3A_167 = tpu.memref_slice %arg3[%dma_wait3A_165, %dma_wait3A_166] : memref<10000x128xf32, #tpu.memory_space<hbm>> -> memref<10000x128xf32, #tpu.memory_space<hbm>>
      tpu.wait_indirect_dma semaphore(%arg16 : memref<!tpu.dma_semaphore, #tpu.memory_space<semaphore_mem>>) src(%dma_wait3A_167 : memref<10000x128xf32, #tpu.memory_space<hbm>>) dst(%arg15 : memref<128x128xf32, #tpu.memory_space<vmem>>)
      %dma_start3A_168 = arith.constant 0 : i32
      %dma_start3A_169 = arith.constant 0 : i32
      %dma_start3A_170 = tpu.memref_slice %arg18[%dma_start3A_168, %dma_start3A_169] : memref<10240x128xf32, #tpu.memory_space<vmem_shared>> -> memref<10240x128xf32, #tpu.memory_space<vmem_shared>>
      tpu.enqueue_indirect_dma source(%arg15 : memref<128x128xf32, #tpu.memory_space<vmem>>) target(%dma_start3A_170 : memref<10240x128xf32, #tpu.memory_space<vmem_shared>>) offsets(%arg13 : memref<128xi32, #tpu.memory_space<vmem>>) semaphore(%arg17 : memref<!tpu.dma_semaphore, #tpu.memory_space<semaphore_mem>>) {add = true}
      %dma_wait3A_171 = arith.constant 0 : i32
      %dma_wait3A_172 = arith.constant 0 : i32
      %dma_wait3A_173 = tpu.memref_slice %arg18[%dma_wait3A_171, %dma_wait3A_172] : memref<10240x128xf32, #tpu.memory_space<vmem_shared>> -> memref<10240x128xf32, #tpu.memory_space<vmem_shared>>
      tpu.wait_indirect_dma semaphore(%arg17 : memref<!tpu.dma_semaphore, #tpu.memory_space<semaphore_mem>>) src(%arg14 : memref<128x128xf32, #tpu.memory_space<vmem>>) dst(%dma_wait3A_173 : memref<10240x128xf32, #tpu.memory_space<vmem_shared>>)
      %add3A_174 = arith.constant 3 : i32
      %add3A_175 = arith.addi %add3A_118, %add3A_174 : i32
      %dma_start3A_176 = arith.constant 0 : i32
      %dma_start3A_177 = arith.constant 0 : i32
      %dma_start3A_178 = tpu.memref_slice %arg3[%dma_start3A_176, %dma_start3A_177] : memref<10000x128xf32, #tpu.memory_space<hbm>> -> memref<10000x128xf32, #tpu.memory_space<hbm>>
      tpu.enqueue_indirect_dma source(%dma_start3A_178 : memref<10000x128xf32, #tpu.memory_space<hbm>>) target(%arg14 : memref<128x128xf32, #tpu.memory_space<vmem>>) offsets(%arg6 : memref<128xi32, #tpu.memory_space<vmem>>) semaphore(%arg16 : memref<!tpu.dma_semaphore, #tpu.memory_space<semaphore_mem>>)
      %add3A_179 = arith.constant 4 : i32
      %add3A_180 = arith.addi %add3A_118, %add3A_179 : i32
      %scan3A_181 = arith.constant 0 : i32
      %scan3A_182 = arith.constant 0 : i32
      %scan3A_183 = arith.constant 8 : i32
      %scan3A_184 = arith.addi %scan3A_182, %scan3A_183 : i32
      %scan3A_185 = arith.constant 1 : i32
      %scan3A_186 = scf.for %scan3A_212 = %scan3A_182 to %scan3A_184 step %scan3A_185 iter_args(%scan3A_213 = %scan3A_181) -> (i32)  : i32 {
        %mul3A_214 = arith.constant 16 : i32
        %mul3A_215 = arith.muli %scan3A_212, %mul3A_214 : i32
        %get3A = arith.index_cast %add3A_180 : i32 to index
        %get3A_216 = arith.index_cast %mul3A_215 : i32 to index
        %get3A_217 = tpu.vector_load %arg5[%get3A, %get3A_216] {strides = array<i32>} : memref<80x128xi32, #tpu.memory_space<vmem>>, vector<1x16xi32>,
        %get3A_218 = vector.shape_cast %get3A_217 : vector<1x16xi32> to vector<16xi32>
        %shift_right_logical3A = arith.constant 14 : i32
        %shift_right_logical3A_219 = vector.broadcast %shift_right_logical3A : i32 to vector<16xi32>
        %shift_right_logical3A_220 = arith.shrui %get3A_218, %shift_right_logical3A_219 : vector<16xi32>
        %mul3A_221 = arith.constant 16 : i32
        %mul3A_222 = arith.muli %scan3A_212, %mul3A_221 : i32
        %swap3A = arith.index_cast %mul3A_222 : i32 to index
        %swap3A_223 = tpu.vector_load %arg7[%swap3A] {strides = array<i32>} : memref<128xi32, #tpu.memory_space<vmem>>, vector<16xi32>,
        %swap3A_224 = vector.shape_cast %swap3A_223 : vector<16xi32> to vector<16xi32>
        %swap3A_225 = vector.shape_cast %shift_right_logical3A_220 : vector<16xi32> to vector<16xi32>
        tpu.vector_store %arg7[%swap3A], %swap3A_225 {strides = array<i32>} : memref<128xi32, #tpu.memory_space<vmem>>, vector<16xi32>,
        %and3A = arith.constant 16383 : i32
        %and3A_226 = vector.broadcast %and3A : i32 to vector<16xi32>
        %and3A_227 = arith.andi %get3A_218, %and3A_226 : vector<16xi32>
        %mul3A_228 = arith.constant 16 : i32
        %mul3A_229 = arith.muli %scan3A_212, %mul3A_228 : i32
        %swap3A_230 = arith.index_cast %mul3A_229 : i32 to index
        %swap3A_231 = tpu.vector_load %arg11[%swap3A_230] {strides = array<i32>} : memref<128xi32, #tpu.memory_space<vmem>>, vector<16xi32>,
        %swap3A_232 = vector.shape_cast %swap3A_231 : vector<16xi32> to vector<16xi32>
        %swap3A_233 = vector.shape_cast %and3A_227 : vector<16xi32> to vector<16xi32>
        tpu.vector_store %arg11[%swap3A_230], %swap3A_233 {strides = array<i32>} : memref<128xi32, #tpu.memory_space<vmem>>, vector<16xi32>,
        %scan3A_234 = arith.constant 0 : i32
        scf.yield %scan3A_234 : i32
      }
      %scan3A_187 = arith.constant 8 : i32
      %dma_wait3A_188 = arith.constant 0 : i32
      %dma_wait3A_189 = arith.constant 0 : i32
      %dma_wait3A_190 = tpu.memref_slice %arg3[%dma_wait3A_188, %dma_wait3A_189] : memref<10000x128xf32, #tpu.memory_space<hbm>> -> memref<10000x128xf32, #tpu.memory_space<hbm>>
      tpu.wait_indirect_dma semaphore(%arg16 : memref<!tpu.dma_semaphore, #tpu.memory_space<semaphore_mem>>) src(%dma_wait3A_190 : memref<10000x128xf32, #tpu.memory_space<hbm>>) dst(%arg14 : memref<128x128xf32, #tpu.memory_space<vmem>>)
      %dma_start3A_191 = arith.constant 0 : i32
      %dma_start3A_192 = arith.constant 0 : i32
      %dma_start3A_193 = tpu.memref_slice %arg18[%dma_start3A_191, %dma_start3A_192] : memref<10240x128xf32, #tpu.memory_space<vmem_shared>> -> memref<10240x128xf32, #tpu.memory_space<vmem_shared>>
      tpu.enqueue_indirect_dma source(%arg14 : memref<128x128xf32, #tpu.memory_space<vmem>>) target(%dma_start3A_193 : memref<10240x128xf32, #tpu.memory_space<vmem_shared>>) offsets(%arg10 : memref<128xi32, #tpu.memory_space<vmem>>) semaphore(%arg17 : memref<!tpu.dma_semaphore, #tpu.memory_space<semaphore_mem>>) {add = true}
      %dma_wait3A_194 = arith.constant 0 : i32
      %dma_wait3A_195 = arith.constant 0 : i32
      %dma_wait3A_196 = tpu.memref_slice %arg18[%dma_wait3A_194, %dma_wait3A_195] : memref<10240x128xf32, #tpu.memory_space<vmem_shared>> -> memref<10240x128xf32, #tpu.memory_space<vmem_shared>>
      tpu.wait_indirect_dma semaphore(%arg17 : memref<!tpu.dma_semaphore, #tpu.memory_space<semaphore_mem>>) src(%arg15 : memref<128x128xf32, #tpu.memory_space<vmem>>) dst(%dma_wait3A_196 : memref<10240x128xf32, #tpu.memory_space<vmem_shared>>)
      %add3A_197 = arith.constant 4 : i32
      %add3A_198 = arith.addi %add3A_118, %add3A_197 : i32
      %dma_start3A_199 = arith.constant 0 : i32
      %dma_start3A_200 = arith.constant 0 : i32
      %dma_start3A_201 = tpu.memref_slice %arg3[%dma_start3A_199, %dma_start3A_200] : memref<10000x128xf32, #tpu.memory_space<hbm>> -> memref<10000x128xf32, #tpu.memory_space<hbm>>
      tpu.enqueue_indirect_dma source(%dma_start3A_201 : memref<10000x128xf32, #tpu.memory_space<hbm>>) target(%arg15 : memref<128x128xf32, #tpu.memory_space<vmem>>) offsets(%arg7 : memref<128xi32, #tpu.memory_space<vmem>>) semaphore(%arg16 : memref<!tpu.dma_semaphore, #tpu.memory_space<semaphore_mem>>)
      %add3A_202 = arith.constant 5 : i32
      %add3A_203 = arith.addi %add3A_118, %add3A_202 : i32
      %scan3A_204 = arith.constant 0 : i32
      %scan3A_205 = arith.constant 0 : i32
      %scan3A_206 = arith.constant 8 : i32
      %scan3A_207 = arith.addi %scan3A_205, %scan3A_206 : i32
      %scan3A_208 = arith.constant 1 : i32
      %scan3A_209 = scf.for %scan3A_212 = %scan3A_205 to %scan3A_207 step %scan3A_208 iter_args(%scan3A_213 = %scan3A_204) -> (i32)  : i32 {
        %mul3A_214 = arith.constant 16 : i32
        %mul3A_215 = arith.muli %scan3A_212, %mul3A_214 : i32
        %get3A = arith.index_cast %add3A_203 : i32 to index
        %get3A_216 = arith.index_cast %mul3A_215 : i32 to index
        %get3A_217 = tpu.vector_load %arg5[%get3A, %get3A_216] {strides = array<i32>} : memref<80x128xi32, #tpu.memory_space<vmem>>, vector<1x16xi32>,
        %get3A_218 = vector.shape_cast %get3A_217 : vector<1x16xi32> to vector<16xi32>
        %shift_right_logical3A = arith.constant 14 : i32
        %shift_right_logical3A_219 = vector.broadcast %shift_right_logical3A : i32 to vector<16xi32>
        %shift_right_logical3A_220 = arith.shrui %get3A_218, %shift_right_logical3A_219 : vector<16xi32>
        %mul3A_221 = arith.constant 16 : i32
        %mul3A_222 = arith.muli %scan3A_212, %mul3A_221 : i32
        %swap3A = arith.index_cast %mul3A_222 : i32 to index
        %swap3A_223 = tpu.vector_load %arg8[%swap3A] {strides = array<i32>} : memref<128xi32, #tpu.memory_space<vmem>>, vector<16xi32>,
        %swap3A_224 = vector.shape_cast %swap3A_223 : vector<16xi32> to vector<16xi32>
        %swap3A_225 = vector.shape_cast %shift_right_logical3A_220 : vector<16xi32> to vector<16xi32>
        tpu.vector_store %arg8[%swap3A], %swap3A_225 {strides = array<i32>} : memref<128xi32, #tpu.memory_space<vmem>>, vector<16xi32>,
        %and3A = arith.constant 16383 : i32
        %and3A_226 = vector.broadcast %and3A : i32 to vector<16xi32>
        %and3A_227 = arith.andi %get3A_218, %and3A_226 : vector<16xi32>
        %mul3A_228 = arith.constant 16 : i32
        %mul3A_229 = arith.muli %scan3A_212, %mul3A_228 : i32
        %swap3A_230 = arith.index_cast %mul3A_229 : i32 to index
        %swap3A_231 = tpu.vector_load %arg12[%swap3A_230] {strides = array<i32>} : memref<128xi32, #tpu.memory_space<vmem>>, vector<16xi32>,
        %swap3A_232 = vector.shape_cast %swap3A_231 : vector<16xi32> to vector<16xi32>
        %swap3A_233 = vector.shape_cast %and3A_227 : vector<16xi32> to vector<16xi32>
        tpu.vector_store %arg12[%swap3A_230], %swap3A_233 {strides = array<i32>} : memref<128xi32, #tpu.memory_space<vmem>>, vector<16xi32>,
        %scan3A_234 = arith.constant 0 : i32
        scf.yield %scan3A_234 : i32
      }
      %scan3A_210 = arith.constant 8 : i32
      %scan3A_211 = arith.constant 0 : i32
      scf.yield %scan3A_211 : i32
    }
    %scan3A_64 = arith.constant 19 : i32
    %dma_wait3A_65 = arith.constant 0 : i32
    %dma_wait3A_66 = arith.constant 0 : i32
    %dma_wait3A_67 = tpu.memref_slice %arg3[%dma_wait3A_65, %dma_wait3A_66] : memref<10000x128xf32, #tpu.memory_space<hbm>> -> memref<10000x128xf32, #tpu.memory_space<hbm>>
    tpu.wait_indirect_dma semaphore(%arg16 : memref<!tpu.dma_semaphore, #tpu.memory_space<semaphore_mem>>) src(%dma_wait3A_67 : memref<10000x128xf32, #tpu.memory_space<hbm>>) dst(%arg15 : memref<128x128xf32, #tpu.memory_space<vmem>>)
    %dma_start3A_68 = arith.constant 0 : i32
    %dma_start3A_69 = arith.constant 0 : i32
    %dma_start3A_70 = tpu.memref_slice %arg18[%dma_start3A_68, %dma_start3A_69] : memref<10240x128xf32, #tpu.memory_space<vmem_shared>> -> memref<10240x128xf32, #tpu.memory_space<vmem_shared>>
    tpu.enqueue_indirect_dma source(%arg15 : memref<128x128xf32, #tpu.memory_space<vmem>>) target(%dma_start3A_70 : memref<10240x128xf32, #tpu.memory_space<vmem_shared>>) offsets(%arg11 : memref<128xi32, #tpu.memory_space<vmem>>) semaphore(%arg17 : memref<!tpu.dma_semaphore, #tpu.memory_space<semaphore_mem>>) {add = true}
    %dma_wait3A_71 = arith.constant 0 : i32
    %dma_wait3A_72 = arith.constant 0 : i32
    %dma_wait3A_73 = tpu.memref_slice %arg18[%dma_wait3A_71, %dma_wait3A_72] : memref<10240x128xf32, #tpu.memory_space<vmem_shared>> -> memref<10240x128xf32, #tpu.memory_space<vmem_shared>>
    tpu.wait_indirect_dma semaphore(%arg17 : memref<!tpu.dma_semaphore, #tpu.memory_space<semaphore_mem>>) src(%arg14 : memref<128x128xf32, #tpu.memory_space<vmem>>) dst(%dma_wait3A_73 : memref<10240x128xf32, #tpu.memory_space<vmem_shared>>)
    %dma_start3A_74 = arith.constant 0 : i32
    %dma_start3A_75 = arith.constant 0 : i32
    %dma_start3A_76 = tpu.memref_slice %arg3[%dma_start3A_74, %dma_start3A_75] : memref<10000x128xf32, #tpu.memory_space<hbm>> -> memref<10000x128xf32, #tpu.memory_space<hbm>>
    tpu.enqueue_indirect_dma source(%dma_start3A_76 : memref<10000x128xf32, #tpu.memory_space<hbm>>) target(%arg14 : memref<128x128xf32, #tpu.memory_space<vmem>>) offsets(%arg8 : memref<128xi32, #tpu.memory_space<vmem>>) semaphore(%arg16 : memref<!tpu.dma_semaphore, #tpu.memory_space<semaphore_mem>>)
    %dma_wait3A_77 = arith.constant 0 : i32
    %dma_wait3A_78 = arith.constant 0 : i32
    %dma_wait3A_79 = tpu.memref_slice %arg3[%dma_wait3A_77, %dma_wait3A_78] : memref<10000x128xf32, #tpu.memory_space<hbm>> -> memref<10000x128xf32, #tpu.memory_space<hbm>>
    tpu.wait_indirect_dma semaphore(%arg16 : memref<!tpu.dma_semaphore, #tpu.memory_space<semaphore_mem>>) src(%dma_wait3A_79 : memref<10000x128xf32, #tpu.memory_space<hbm>>) dst(%arg14 : memref<128x128xf32, #tpu.memory_space<vmem>>)
    %dma_start3A_80 = arith.constant 0 : i32
    %dma_start3A_81 = arith.constant 0 : i32
    %dma_start3A_82 = tpu.memref_slice %arg18[%dma_start3A_80, %dma_start3A_81] : memref<10240x128xf32, #tpu.memory_space<vmem_shared>> -> memref<10240x128xf32, #tpu.memory_space<vmem_shared>>
    tpu.enqueue_indirect_dma source(%arg14 : memref<128x128xf32, #tpu.memory_space<vmem>>) target(%dma_start3A_82 : memref<10240x128xf32, #tpu.memory_space<vmem_shared>>) offsets(%arg12 : memref<128xi32, #tpu.memory_space<vmem>>) semaphore(%arg17 : memref<!tpu.dma_semaphore, #tpu.memory_space<semaphore_mem>>) {add = true}
    %dma_wait3A_83 = arith.constant 0 : i32
    %dma_wait3A_84 = arith.constant 0 : i32
    %dma_wait3A_85 = tpu.memref_slice %arg18[%dma_wait3A_83, %dma_wait3A_84] : memref<10240x128xf32, #tpu.memory_space<vmem_shared>> -> memref<10240x128xf32, #tpu.memory_space<vmem_shared>>
    tpu.wait_indirect_dma semaphore(%arg17 : memref<!tpu.dma_semaphore, #tpu.memory_space<semaphore_mem>>) src(%arg15 : memref<128x128xf32, #tpu.memory_space<vmem>>) dst(%dma_wait3A_85 : memref<10240x128xf32, #tpu.memory_space<vmem_shared>>)
    %scan3A_86 = arith.constant 0 : i32
    %scan3A_87 = arith.constant 0 : i32
    %scan3A_88 = arith.constant 8 : i32
    %scan3A_89 = arith.addi %scan3A_87, %scan3A_88 : i32
    %scan3A_90 = arith.constant 1 : i32
    %scan3A_91 = scf.for %scan3A_113 = %scan3A_87 to %scan3A_89 step %scan3A_90 iter_args(%scan3A_114 = %scan3A_86) -> (i32)  : i32 {
      %mul3A_115 = arith.constant 16 : i32
      %mul3A_116 = arith.muli %scan3A_113, %mul3A_115 : i32
      %get3A = arith.constant 79 : i32
      %get3A_117 = arith.index_cast %get3A : i32 to index
      %get3A_118 = arith.index_cast %mul3A_116 : i32 to index
      %get3A_119 = tpu.vector_load %arg5[%get3A_117, %get3A_118] {strides = array<i32>} : memref<80x128xi32, #tpu.memory_space<vmem>>, vector<1x16xi32>,
      %get3A_120 = vector.shape_cast %get3A_119 : vector<1x16xi32> to vector<16xi32>
      %shift_right_logical3A = arith.constant 14 : i32
      %shift_right_logical3A_121 = vector.broadcast %shift_right_logical3A : i32 to vector<16xi32>
      %shift_right_logical3A_122 = arith.shrui %get3A_120, %shift_right_logical3A_121 : vector<16xi32>
      %mul3A_123 = arith.constant 16 : i32
      %mul3A_124 = arith.muli %scan3A_113, %mul3A_123 : i32
      %swap3A = arith.index_cast %mul3A_124 : i32 to index
      %swap3A_125 = tpu.vector_load %arg9[%swap3A] {strides = array<i32>} : memref<128xi32, #tpu.memory_space<vmem>>, vector<16xi32>,
      %swap3A_126 = vector.shape_cast %swap3A_125 : vector<16xi32> to vector<16xi32>
      %swap3A_127 = vector.shape_cast %shift_right_logical3A_122 : vector<16xi32> to vector<16xi32>
      tpu.vector_store %arg9[%swap3A], %swap3A_127 {strides = array<i32>} : memref<128xi32, #tpu.memory_space<vmem>>, vector<16xi32>,
      %and3A = arith.constant 16383 : i32
      %and3A_128 = vector.broadcast %and3A : i32 to vector<16xi32>
      %and3A_129 = arith.andi %get3A_120, %and3A_128 : vector<16xi32>
      %mul3A_130 = arith.constant 16 : i32
      %mul3A_131 = arith.muli %scan3A_113, %mul3A_130 : i32
      %swap3A_132 = arith.index_cast %mul3A_131 : i32 to index
      %swap3A_133 = tpu.vector_load %arg13[%swap3A_132] {strides = array<i32>} : memref<128xi32, #tpu.memory_space<vmem>>, vector<16xi32>,
      %swap3A_134 = vector.shape_cast %swap3A_133 : vector<16xi32> to vector<16xi32>
      %swap3A_135 = vector.shape_cast %and3A_129 : vector<16xi32> to vector<16xi32>
      tpu.vector_store %arg13[%swap3A_132], %swap3A_135 {strides = array<i32>} : memref<128xi32, #tpu.memory_space<vmem>>, vector<16xi32>,
      %scan3A_136 = arith.constant 0 : i32
      scf.yield %scan3A_136 : i32
    }
    %scan3A_92 = arith.constant 8 : i32
    %dma_start3A_93 = arith.constant 0 : i32
    %dma_start3A_94 = arith.constant 0 : i32
    %dma_start3A_95 = tpu.memref_slice %arg3[%dma_start3A_93, %dma_start3A_94] : memref<10000x128xf32, #tpu.memory_space<hbm>> -> memref<10000x128xf32, #tpu.memory_space<hbm>>
    tpu.enqueue_indirect_dma source(%dma_start3A_95 : memref<10000x128xf32, #tpu.memory_space<hbm>>) target(%arg15 : memref<128x128xf32, #tpu.memory_space<vmem>>) offsets(%arg9 : memref<128xi32, #tpu.memory_space<vmem>>) semaphore(%arg16 : memref<!tpu.dma_semaphore, #tpu.memory_space<semaphore_mem>>)
    %dma_wait3A_96 = arith.constant 0 : i32
    %dma_wait3A_97 = arith.constant 0 : i32
    %dma_wait3A_98 = tpu.memref_slice %arg3[%dma_wait3A_96, %dma_wait3A_97] : memref<10000x128xf32, #tpu.memory_space<hbm>> -> memref<10000x128xf32, #tpu.memory_space<hbm>>
    tpu.wait_indirect_dma semaphore(%arg16 : memref<!tpu.dma_semaphore, #tpu.memory_space<semaphore_mem>>) src(%dma_wait3A_98 : memref<10000x128xf32, #tpu.memory_space<hbm>>) dst(%arg15 : memref<128x128xf32, #tpu.memory_space<vmem>>)
    %dma_start3A_99 = arith.constant 0 : i32
    %dma_start3A_100 = arith.constant 0 : i32
    %dma_start3A_101 = tpu.memref_slice %arg18[%dma_start3A_99, %dma_start3A_100] : memref<10240x128xf32, #tpu.memory_space<vmem_shared>> -> memref<10240x128xf32, #tpu.memory_space<vmem_shared>>
    tpu.enqueue_indirect_dma source(%arg15 : memref<128x128xf32, #tpu.memory_space<vmem>>) target(%dma_start3A_101 : memref<10240x128xf32, #tpu.memory_space<vmem_shared>>) offsets(%arg13 : memref<128xi32, #tpu.memory_space<vmem>>) semaphore(%arg17 : memref<!tpu.dma_semaphore, #tpu.memory_space<semaphore_mem>>) {add = true}
    %dma_wait3A_102 = arith.constant 0 : i32
    %dma_wait3A_103 = arith.constant 0 : i32
    %dma_wait3A_104 = tpu.memref_slice %arg18[%dma_wait3A_102, %dma_wait3A_103] : memref<10240x128xf32, #tpu.memory_space<vmem_shared>> -> memref<10240x128xf32, #tpu.memory_space<vmem_shared>>
    tpu.wait_indirect_dma semaphore(%arg17 : memref<!tpu.dma_semaphore, #tpu.memory_space<semaphore_mem>>) src(%arg14 : memref<128x128xf32, #tpu.memory_space<vmem>>) dst(%dma_wait3A_104 : memref<10240x128xf32, #tpu.memory_space<vmem_shared>>)
    %dma_wait3A_105 = arith.constant 0 : i32
    %dma_wait3A_106 = arith.constant 0 : i32
    %dma_wait3A_107 = tpu.memref_slice %arg18[%dma_wait3A_105, %dma_wait3A_106] : memref<10240x128xf32, #tpu.memory_space<vmem_shared>> -> memref<10240x128xf32, #tpu.memory_space<vmem_shared>>
    tpu.wait_indirect_dma semaphore(%arg17 : memref<!tpu.dma_semaphore, #tpu.memory_space<semaphore_mem>>) src(%arg15 : memref<128x128xf32, #tpu.memory_space<vmem>>) dst(%dma_wait3A_107 : memref<10240x128xf32, #tpu.memory_space<vmem_shared>>)
    %barrier3A_108 = arith.constant 0 : index
    tpu.barrier barrier_id(%barrier3A_108)
    %mul3A_109 = arith.constant 640 : i32
    %mul3A_110 = arith.muli %arg1, %mul3A_109 : i32
    %mul3A_111 = arith.constant 640 : i32
    %mul3A_112 = arith.muli %arg1, %mul3A_111 : i32
    "tpu.region"() ({
      %run_scoped3A = tpu.sem_alloc : memref<!tpu.dma_semaphore, #tpu.memory_space<semaphore_mem>>
      %dma_start3A_113 = arith.constant 0 : i32
      %dma_start3A_114 = tpu.memref_slice %arg4[%arg0, %mul3A_112, %dma_start3A_113] : memref<2x10240x128xf32, #tpu.memory_space<hbm>> -> memref<1x640x128xf32, #tpu.memory_space<hbm>>
      %dma_start3A_115 = tpu.memref_squeeze %dma_start3A_114 : memref<1x640x128xf32, #tpu.memory_space<hbm>> -> memref<640x128xf32, #tpu.memory_space<hbm>>
      %dma_start3A_116 = arith.constant 0 : i32
      %dma_start3A_117 = tpu.memref_slice %arg18[%mul3A_110, %dma_start3A_116] : memref<10240x128xf32, #tpu.memory_space<vmem_shared>> -> memref<640x128xf32, #tpu.memory_space<vmem_shared>>
      tpu.enqueue_dma source(%dma_start3A_117 : memref<640x128xf32, #tpu.memory_space<vmem_shared>>) target(%dma_start3A_115 : memref<640x128xf32, #tpu.memory_space<hbm>>) target_semaphore(%run_scoped3A : memref<!tpu.dma_semaphore, #tpu.memory_space<semaphore_mem>>)
      %dma_wait3A_118 = arith.constant 0 : i32
      %dma_wait3A_119 = tpu.memref_slice %arg4[%arg0, %mul3A_112, %dma_wait3A_118] : memref<2x10240x128xf32, #tpu.memory_space<hbm>> -> memref<1x640x128xf32, #tpu.memory_space<hbm>>
      %dma_wait3A_120 = tpu.memref_squeeze %dma_wait3A_119 : memref<1x640x128xf32, #tpu.memory_space<hbm>> -> memref<640x128xf32, #tpu.memory_space<hbm>>
      %dma_wait3A_121 = arith.constant 0 : i32
      %dma_wait3A_122 = tpu.memref_slice %arg18[%mul3A_110, %dma_wait3A_121] : memref<10240x128xf32, #tpu.memory_space<vmem_shared>> -> memref<640x128xf32, #tpu.memory_space<vmem_shared>>
      tpu.wait_dma2 semaphore(%run_scoped3A : memref<!tpu.dma_semaphore, #tpu.memory_space<semaphore_mem>>) src(%dma_wait3A_122 : memref<640x128xf32, #tpu.memory_space<vmem_shared>>) dst(%dma_wait3A_120 : memref<640x128xf32, #tpu.memory_space<hbm>>)
      tpu.yield
    }) : () -> ()
    return
  }
}

module attributes {stable_mosaic.version = 14 : i64} {
  func.func @_tc_prep_body(%arg0: i32, %arg1: memref<2048x128xf32, #tpu.memory_space<vmem>>, %arg2: memref<2x2048xf32, #tpu.memory_space<vmem>>, %arg3: memref<128x128xf32, #tpu.memory_space<vmem>>, %arg4: memref<2048x128xf32, #tpu.memory_space<vmem>>, %arg5: memref<2048x128xf32, #tpu.memory_space<vmem>>) attributes {dimension_semantics = [#tpu.dimension_semantics<arbitrary>], iteration_bounds = array<i64: 5>, scalar_prefetch = 0 : i64, scratch_operands = 0 : i64, tpu.core_type = #tpu.core_type<tc>, window_params = [{transform_indices = @transform_0, window_bounds = array<i64: 2048, 128>}, {transform_indices = @transform_1, window_bounds = array<i64: 2, 2048>}, {pipeline_mode = #tpu.pipeline_mode<synchronous>, transform_indices = @transform_2, window_bounds = array<i64: 128, 128>}, {transform_indices = @transform_3, window_bounds = array<i64: 2048, 128>}, {transform_indices = @transform_4, window_bounds = array<i64: 2048, 128>}]} {
    %get3A = arith.constant 0 : index
    %get3A_0 = arith.constant 0 : index
    %get3A_1 = vector.load %arg2[%get3A, %get3A_0] : memref<2x2048xf32, #tpu.memory_space<vmem>>, vector<2x2048xf32>
    %reduce_sum3A = arith.constant dense<0.000000e+00> : vector<2048xf32>
    %reduce_sum3A_2 = vector.multi_reduction <add>, %get3A_1, %reduce_sum3A [0] : vector<2x2048xf32> to vector<2048xf32>
    %gt3A = arith.constant 0.000000e+00 : f32
    %gt3A_3 = vector.broadcast %gt3A : f32 to vector<2048xf32>
    %gt3A_4 = arith.cmpf ogt, %reduce_sum3A_2, %gt3A_3 : vector<2048xf32>
    %rsqrt3A = math.rsqrt %reduce_sum3A_2 : vector<2048xf32>
    %jit3A = arith.constant 0.000000e+00 : f32
    %broadcast_in_dim3A = vector.broadcast %jit3A : f32 to vector<2048xf32>
    %select_n3A = arith.select %gt3A_4, %rsqrt3A, %broadcast_in_dim3A : vector<2048xi1>, vector<2048xf32>
    %get3A_5 = arith.constant 0 : index
    %get3A_6 = arith.constant 0 : index
    %get3A_7 = vector.load %arg1[%get3A_5, %get3A_6] : memref<2048x128xf32, #tpu.memory_space<vmem>>, vector<2048x128xf32>
    %broadcast_in_dim3A_8 = vector.shape_cast %select_n3A : vector<2048xf32> to vector<2048x1xf32>
    %mul3A = vector.broadcast %broadcast_in_dim3A_8 : vector<2048x1xf32> to vector<2048x128xf32>
    %mul3A_9 = arith.mulf %get3A_7, %mul3A : vector<2048x128xf32>
    %swap3A = arith.constant 0 : index
    %swap3A_10 = arith.constant 0 : index
    %swap3A_11 = vector.load %arg4[%swap3A, %swap3A_10] : memref<2048x128xf32, #tpu.memory_space<vmem>>, vector<2048x128xf32>
    tpu.vector_store %arg4[%swap3A, %swap3A_10], %mul3A_9 {strides = array<i32>} : memref<2048x128xf32, #tpu.memory_space<vmem>>, vector<2048x128xf32>,
    %get3A_12 = arith.constant 0 : index
    %get3A_13 = arith.constant 0 : index
    %get3A_14 = vector.load %arg3[%get3A_12, %get3A_13] : memref<128x128xf32, #tpu.memory_space<vmem>>, vector<128x128xf32>
    %dot_general3A = arith.constant dense<0.000000e+00> : vector<2048x128xf32>
    %dot_general3A_15 = tpu.matmul %get3A_7, %get3A_14, %dot_general3A {dimension_numbers = #tpu.dot_dimension_numbers<[1], [0], [0], [1], [0, 0, 1, 1], [], []>, transpose_lhs_hint = false} : vector<2048x128xf32>, vector<128x128xf32>, vector<2048x128xf32> -> vector<2048x128xf32>
    %swap3A_16 = arith.constant 0 : index
    %swap3A_17 = arith.constant 0 : index
    %swap3A_18 = vector.load %arg5[%swap3A_16, %swap3A_17] : memref<2048x128xf32, #tpu.memory_space<vmem>>, vector<2048x128xf32>
    tpu.vector_store %arg5[%swap3A_16, %swap3A_17], %dot_general3A_15 {strides = array<i32>} : memref<2048x128xf32, #tpu.memory_space<vmem>>, vector<2048x128xf32>,
    return
  }
  func.func @transform_0(%arg0: i32) -> (i32, i32) {
    %c0_i32 = arith.constant 0 : i32
    %c0_i32_0 = arith.constant 0 : i32
    return %arg0, %c0_i32 : i32, i32
  }
  func.func @transform_1(%arg0: i32) -> (i32, i32) {
    %c0_i32 = arith.constant 0 : i32
    %c0_i32_0 = arith.constant 0 : i32
    return %c0_i32, %arg0 : i32, i32
  }
  func.func @transform_2(%arg0: i32) -> (i32, i32) {
    %c0_i32 = arith.constant 0 : i32
    %c0_i32_0 = arith.constant 0 : i32
    %c0_i32_1 = arith.constant 0 : i32
    return %c0_i32, %c0_i32_0 : i32, i32
  }
  func.func @transform_3(%arg0: i32) -> (i32, i32) {
    %c0_i32 = arith.constant 0 : i32
    %c0_i32_0 = arith.constant 0 : i32
    return %arg0, %c0_i32 : i32, i32
  }
  func.func @transform_4(%arg0: i32) -> (i32, i32) {
    %c0_i32 = arith.constant 0 : i32
    %c0_i32_0 = arith.constant 0 : i32
    return %arg0, %c0_i32 : i32, i32
  }
}

module attributes {stable_mosaic.version = 14 : i64} {
  func.func @_tc_final_body(%arg0: i32, %arg1: memref<2048x128xf32, #tpu.memory_space<vmem>>, %arg2: memref<2x2048x128xf32, #tpu.memory_space<vmem>>, %arg3: memref<2x2048xf32, #tpu.memory_space<vmem>>, %arg4: memref<128x128xf32, #tpu.memory_space<vmem>>, %arg5: memref<2048x128xf32, #tpu.memory_space<vmem>>) attributes {dimension_semantics = [#tpu.dimension_semantics<arbitrary>], iteration_bounds = array<i64: 5>, scalar_prefetch = 0 : i64, scratch_operands = 0 : i64, tpu.core_type = #tpu.core_type<tc>, window_params = [{transform_indices = @transform_0, window_bounds = array<i64: 2048, 128>}, {transform_indices = @transform_1, window_bounds = array<i64: 2, 2048, 128>}, {transform_indices = @transform_2, window_bounds = array<i64: 2, 2048>}, {pipeline_mode = #tpu.pipeline_mode<synchronous>, transform_indices = @transform_3, window_bounds = array<i64: 128, 128>}, {transform_indices = @transform_4, window_bounds = array<i64: 2048, 128>}]} {
    %get3A = arith.constant 0 : index
    %get3A_0 = arith.constant 0 : index
    %get3A_1 = vector.load %arg3[%get3A, %get3A_0] : memref<2x2048xf32, #tpu.memory_space<vmem>>, vector<2x2048xf32>
    %reduce_sum3A = arith.constant dense<0.000000e+00> : vector<2048xf32>
    %reduce_sum3A_2 = vector.multi_reduction <add>, %get3A_1, %reduce_sum3A [0] : vector<2x2048xf32> to vector<2048xf32>
    %gt3A = arith.constant 0.000000e+00 : f32
    %gt3A_3 = vector.broadcast %gt3A : f32 to vector<2048xf32>
    %gt3A_4 = arith.cmpf ogt, %reduce_sum3A_2, %gt3A_3 : vector<2048xf32>
    %rsqrt3A = math.rsqrt %reduce_sum3A_2 : vector<2048xf32>
    %jit3A = arith.constant 0.000000e+00 : f32
    %broadcast_in_dim3A = vector.broadcast %jit3A : f32 to vector<2048xf32>
    %select_n3A = arith.select %gt3A_4, %rsqrt3A, %broadcast_in_dim3A : vector<2048xi1>, vector<2048xf32>
    %get3A_5 = arith.constant 0 : index
    %get3A_6 = arith.constant 0 : index
    %get3A_7 = arith.constant 0 : index
    %get3A_8 = vector.load %arg2[%get3A_5, %get3A_6, %get3A_7] : memref<2x2048x128xf32, #tpu.memory_space<vmem>>, vector<1x2048x128xf32>
    %get3A_9 = vector.shape_cast %get3A_8 : vector<1x2048x128xf32> to vector<2048x128xf32>
    %get3A_10 = arith.constant 1 : index
    %get3A_11 = arith.constant 0 : index
    %get3A_12 = arith.constant 0 : index
    %get3A_13 = vector.load %arg2[%get3A_10, %get3A_11, %get3A_12] : memref<2x2048x128xf32, #tpu.memory_space<vmem>>, vector<1x2048x128xf32>
    %get3A_14 = vector.shape_cast %get3A_13 : vector<1x2048x128xf32> to vector<2048x128xf32>
    %add3A = arith.addf %get3A_9, %get3A_14 : vector<2048x128xf32>
    %broadcast_in_dim3A_15 = vector.shape_cast %select_n3A : vector<2048xf32> to vector<2048x1xf32>
    %mul3A = vector.broadcast %broadcast_in_dim3A_15 : vector<2048x1xf32> to vector<2048x128xf32>
    %mul3A_16 = arith.mulf %add3A, %mul3A : vector<2048x128xf32>
    %get3A_17 = arith.constant 0 : index
    %get3A_18 = arith.constant 0 : index
    %get3A_19 = vector.load %arg1[%get3A_17, %get3A_18] : memref<2048x128xf32, #tpu.memory_space<vmem>>, vector<2048x128xf32>
    %get3A_20 = arith.constant 0 : index
    %get3A_21 = arith.constant 0 : index
    %get3A_22 = vector.load %arg4[%get3A_20, %get3A_21] : memref<128x128xf32, #tpu.memory_space<vmem>>, vector<128x128xf32>
    %dot_general3A = arith.constant dense<0.000000e+00> : vector<2048x128xf32>
    %dot_general3A_23 = tpu.matmul %mul3A_16, %get3A_22, %dot_general3A {dimension_numbers = #tpu.dot_dimension_numbers<[1], [0], [0], [1], [0, 0, 1, 1], [], []>, transpose_lhs_hint = false} : vector<2048x128xf32>, vector<128x128xf32>, vector<2048x128xf32> -> vector<2048x128xf32>
    %add3A_24 = arith.addf %get3A_19, %dot_general3A_23 : vector<2048x128xf32>
    %swap3A = arith.constant 0 : index
    %swap3A_25 = arith.constant 0 : index
    %swap3A_26 = vector.load %arg5[%swap3A, %swap3A_25] : memref<2048x128xf32, #tpu.memory_space<vmem>>, vector<2048x128xf32>
    tpu.vector_store %arg5[%swap3A, %swap3A_25], %add3A_24 {strides = array<i32>} : memref<2048x128xf32, #tpu.memory_space<vmem>>, vector<2048x128xf32>,
    return
  }
  func.func @transform_0(%arg0: i32) -> (i32, i32) {
    %c0_i32 = arith.constant 0 : i32
    %c0_i32_0 = arith.constant 0 : i32
    return %arg0, %c0_i32 : i32, i32
  }
  func.func @transform_1(%arg0: i32) -> (i32, i32, i32) {
    %c0_i32 = arith.constant 0 : i32
    %c0_i32_0 = arith.constant 0 : i32
    %c0_i32_1 = arith.constant 0 : i32
    return %c0_i32, %arg0, %c0_i32_0 : i32, i32, i32
  }
  func.func @transform_2(%arg0: i32) -> (i32, i32) {
    %c0_i32 = arith.constant 0 : i32
    %c0_i32_0 = arith.constant 0 : i32
    return %c0_i32, %arg0 : i32, i32
  }
  func.func @transform_3(%arg0: i32) -> (i32, i32) {
    %c0_i32 = arith.constant 0 : i32
    %c0_i32_0 = arith.constant 0 : i32
    %c0_i32_1 = arith.constant 0 : i32
    return %c0_i32, %c0_i32_0 : i32, i32
  }
  func.func @transform_4(%arg0: i32) -> (i32, i32) {
    %c0_i32 = arith.constant 0 : i32
    %c0_i32_0 = arith.constant 0 : i32
    return %arg0, %c0_i32 : i32, i32
  }
}

</mosaic_0001>

<sc_bundles>
// kernel: kernel.6.cloned.1.call-start
scs
__scs_entry_jumppad:
0x0: {  	(pc) =	sbr.rel $0x88, $3  }
0x1: {  	(tag) =	ssettag $0x0;
	lr =	simm.s32 $0x1  }
0x2: {  	[smem:$0x3F9D] =	sst lr;
	_ =	strace $0xD0000000  }
0x3: {  	_ = 	snop  }
0x4: {  	_ = 	snop  }
0x5: {  	_ = 	snop  }
0x6: {  	_ = 	snop  }
0x7: {  	_ = 	snop  }
__scs_overlays_trampoline_lowered:
0x8: {  	[smem:$0x3FAC] =	sst s0  }
0x9: {  	[smem:$0x3FAD] =	sst s1  }
0xa: {  	[smem:$0x3FAE] =	sst s2  }
0xb: {  	[smem:$0x3FAF] =	sst s3  }
0xc: {  	[smem:$0x3FB0] =	sst s4  }
0xd: {  	[smem:$0x3FB1] =	sst s5  }
0xe: {  	[smem:$0x3FB2] =	sst s6  }
0xf: {  	[smem:$0x3FB3] =	sst s7  }
0x10: {  	[smem:$0x3FB4] =	sst s8  }
0x11: {  	[smem:$0x3FB5] =	sst s9;
	s0 =	simm.s32 @!p0 $0x0  }
0x12: {  	s1 =	sld [smem:$0x3F9B];
	s0 =	simm.s32 @p0 $0x1  }
0x13: {  	[smem:$0x3FB6] =	sst s0;
	s0 =	simm.s32 @!p1 $0x0  }
0x14: {  	s2 =	sld [smem:$0x3F9A];
	s0 =	simm.s32 @p1 $0x1  }
0x15: {  	[smem:$0x3FB7] =	sst s0;
	s0 =	simm.s32 @!p2 $0x0  }
0x16: {  	s3 =	sld [smem:$0x3FDB];
	s0 =	simm.s32 @p2 $0x1  }
0x17: {  	s4 =	simm.s32 $0x1BF5;
	[smem:$0x3FB9] =	sst s0  }
0x18: {  	s0 =	sld [smem:$0x3F9C];
	_ =	swait.ge [sflag:s4], $0x0  }
0x19: {  	s7 =	sld [smem:$0x3F9D]  }
0x1a: {  	s8 =	sadd.s32 $0xFFFFE003, lr  }
0x1b: {  	s9 =	sadd.s32 $0xFFFFFEF7, lr;
	s5 =	simm.s32 $0xFFFFFFFF;
	p2 =	slt.u32 s8, $0xFFFFF086  }
0x1c: {  	p1 =	slt.u32 s9, $0xF7A;
	s5 =	simm.s32 @!p2 $0x0  }
0x1d: {  	s5 =	simm.s32 @p1 $0x1;
	p0 =	seq.s32 s7, s2  }
0x1e: {  	s7 =	smul.u32 @!p0 $0xF7A, s2;
	p2 =	seq.s32 @!p0 s5, $0x0  }
0x1f: {  	s9 =	smul.u32 $0xF7A, s1;
	s8 =	simm.s32 @!p0 $0x1BF5;
	p2 =	por !p2, p0  }
0x20: {  	[sflag:s8] =	ssyncset.s32 @!p0 $0xFFFFF086;
	s6 =	sadd.s32 @!p0 s3, s7;
	s7 =	simm.s32 @!p0 $0x108  }
0x21: {  	s3 =	sadd.s32 s3, s9;
	s6 =	sadd.s32 @!p0 $0x88, s6;
	s7 =	simm.s32 @p2 $0x1082  }
0x22: {  	[simem:s7], [sflag:s8] =	dma.local @!p0 [hbm:s6], $0xF7A  }
0x23: {  	s9 =	sor.u32 $0xD0000000, s2;
	s6 =	simm.s32 $0x108;
	_ =	swait.ge @!p0 [sflag:s8], $0x0  }
0x24: {  	s3 =	sadd.s32 $0x88, s3;
	s6 =	simm.s32 @!p1 $0x1082;
	[sflag:s4] =	ssyncset.s32 $0xFFFFF086  }
0x25: {  	[simem:s6], [sflag:s4] =	dma.local [hbm:s3], $0xF7A  }
0x26: {  	[smem:$0x3F9D] =	sst s1;
	(tag) =	ssettag s2;
	_ =	strace s9  }
0x27: {  	s1 =	sld [smem:$0x3FAD]  }
0x28: {  	s2 =	sld [smem:$0x3FAE]  }
0x29: {  	s4 =	sld [smem:$0x3FB0]  }
0x2a: {  	p0 =	seq.s32 s5, $0x0;
	s5 =	sld [smem:$0x3FB1]  }
0x2b: {  	s6 =	sld [smem:$0x3FB2]  }
0x2c: {  	s7 =	sld [smem:$0x3FB3]  }
0x2d: {  	s3 =	simm.s32 $0x108;
	s8 =	sld [smem:$0x3FB4]  }
0x2e: {  	s3 =	simm.s32 @!p0 $0x1082;
	s9 =	sld [smem:$0x3FB5]  }
0x2f: {  	lr =	sadd.s32 s0, s3;
	s0 =	sld [smem:$0x3FAC]  }
0x30: {  	s3 =	sld [smem:$0x3FAF]  }
0x31: {  	[smem:$0x3FB8] =	sst s10  }
0x32: {  	s10 =	sld [smem:$0x3FB6];
	_ =	sdelay $0x3  }
0x33: {  	p0 =	seq.s32 s10, $0x1;
	s10 =	sld [smem:$0x3FB8];
	_ =	sdelay $0x3  }
0x34: {  	[smem:$0x3FB8] =	sst s10  }
0x35: {  	s10 =	sld [smem:$0x3FB7];
	_ =	sdelay $0x3  }
0x36: {  	p1 =	seq.s32 s10, $0x1;
	s10 =	sld [smem:$0x3FB8];
	_ =	sdelay $0x3  }
0x37: {  	[smem:$0x3FB8] =	sst s10  }
0x38: {  	s10 =	sld [smem:$0x3FB9]  }
0x39: {  	_ = 	snop;
	(pc) =	sbr.ind lr, $3  }
0x3a: {  	_ = 	snop  }
0x3b: {  	_ = 	snop  }
0x3c: {  	p2 =	seq.s32 s10, $0x1;
	s10 =	sld [smem:$0x3FB8]  }
0x3d: {  	_ =	shalt  }
0x3e: {  	_ =	shalt  }
0x3f: {  	_ =	shalt  }
0x40: {  	_ =	shalt  }
0x41: {  	_ =	shalt  }
0x42: {  	_ =	shalt  }
0x43: {  	_ =	shalt  }
0x44: {  	_ =	shalt  }
0x45: {  	_ =	shalt  }
0x46: {  	_ =	shalt  }
0x47: {  	_ =	shalt  }
0x48: {  	_ =	shalt  }
0x49: {  	_ =	shalt  }
0x4a: {  	_ =	shalt  }
0x4b: {  	_ =	shalt  }
0x4c: {  	_ =	shalt  }
0x4d: {  	_ =	shalt  }
0x4e: {  	_ =	shalt  }
0x4f: {  	_ =	shalt  }
0x50: {  	_ =	shalt  }
0x51: {  	_ =	shalt  }
0x52: {  	_ =	shalt  }
0x53: {  	_ =	shalt  }
0x54: {  	_ =	shalt  }
0x55: {  	_ =	shalt  }
0x56: {  	_ =	shalt  }
0x57: {  	_ =	shalt  }
0x58: {  	_ =	shalt  }
0x59: {  	_ =	shalt  }
0x5a: {  	_ =	shalt  }
0x5b: {  	_ =	shalt  }
0x5c: {  	_ =	shalt  }
0x5d: {  	_ =	shalt  }
0x5e: {  	_ =	shalt  }
0x5f: {  	_ =	shalt  }
0x60: {  	_ =	shalt  }
0x61: {  	_ =	shalt  }
0x62: {  	_ =	shalt  }
0x63: {  	_ =	shalt  }
0x64: {  	_ =	shalt  }
0x65: {  	_ =	shalt  }
0x66: {  	_ =	shalt  }
0x67: {  	_ =	shalt  }
0x68: {  	_ =	shalt  }
0x69: {  	_ =	shalt  }
0x6a: {  	_ =	shalt  }
0x6b: {  	_ =	shalt  }
0x6c: {  	_ =	shalt  }
0x6d: {  	_ =	shalt  }
0x6e: {  	_ =	shalt  }
0x6f: {  	_ =	shalt  }
0x70: {  	_ =	shalt  }
0x71: {  	_ =	shalt  }
0x72: {  	_ =	shalt  }
0x73: {  	_ =	shalt  }
0x74: {  	_ =	shalt  }
0x75: {  	_ =	shalt  }
0x76: {  	_ =	shalt  }
0x77: {  	_ =	shalt  }
0x78: {  	_ =	shalt  }
0x79: {  	_ =	shalt  }
0x7a: {  	_ =	shalt  }
0x7b: {  	_ =	shalt  }
0x7c: {  	_ =	shalt  }
0x7d: {  	_ =	shalt  }
0x7e: {  	_ =	shalt  }
0x7f: {  	_ =	shalt  }
0x80: {  	_ =	shalt  }
0x81: {  	_ =	shalt  }
0x82: {  	_ =	shalt  }
0x83: {  	_ =	shalt  }
0x84: {  	_ =	shalt  }
0x85: {  	_ =	shalt  }
0x86: {  	_ =	shalt  }
0x87: {  	_ =	shalt  }
.Lfunc_end0:
.L_simem_size_0:
called_computation_lowered:
.L_overlay_start_0:
0x88: {  	s2 =	sld [smem:$0x3FD9]  }
0x89: {  	s3 =	sld [smem:$0x3FFE];
	_ =	sdelay $0x1  }
0x8a: {  	s1 =	srdreg.scid  }
0x8b: {  	s0 =	sand.u32 $0x1, s1  }
0x8c: {  	s17 =	sshll.u32 s0, $0xA;
	s2 =	sadd.s32 s3, s2  }
0x8d: {  	s2 =	sadd.s32 s2, s17  }
0x8e: {  	[smem:$0x3FC4] =	sst s2  }
0x8f: {  	_ = 	snop  }
0x90: {  	s2 =	sld [smem:$0x3FD0];
	(tm) =	ssettm $0x1  }
0x91: {  	s18 =	sld [smem:$0x3FFB];
	_ =	sdelay $0x3  }
0x92: {  	_ =	strace s18  }
0x93: {  	s3 =	sld [smem:$0x3FFC];
	_ =	sdelay $0x3  }
0x94: {  	_ =	strace s3  }
0x95: {  	s3 =	sld [smem:$0x3FFD];
	_ =	sdelay $0x3  }
0x96: {  	_ =	strace s3  }
0x97: {  	_ =	strace $0x8FFFFFFF  }
0x98: {  	s19 =	sld [smem:$0x3FDB];
	_ =	sdelay $0x1  }
0x99: {  	s4 =	simm.s32 $_scs_section_size  }
0x9a: {  	s5 =	simm.s32 $_size__tile_overlayer_lowered;
	s6 =	simm.s32 $_tile_overlayer_lowered  }
0x9b: {  	s22 =	simm.s32 $0x1BFF;
	s21 =	sshll.u32 s6, $0x1;
	s3 =	sadd.s32 s4, s19  }
0x9c: {  	s7 =	simm.s32 $0x0;
	s20 =	sshll.u32 s5, $0x1;
	s5 =	sadd.s32 s21, s3  }
0x9d: {  	[timem:s7], [sflag:s22] =	dma.local [hbm:s5], s20  }
0x9e: {  	_ =	swait.ge [sflag:s22], s20  }
0x9f: {  	s4 =	ssub.s32 $0x0, s20;
	[sflag:s22] =	ssyncset.done $0x0  }
0xa0: {  	[sflag:s22] =	ssyncadd.s32 s4;
	_ =	sdelay $0x1  }
0xa1: {  	s23 =	simm.s32 $0x1B8B  }
0xa2: {  	_ =	swait.ge [sflag:s23], $0x1  }
0xa3: {  	[sflag:s23] =	ssyncset.done $0x0  }
0xa4: {  	s25 =	simm.s32 $0x1B8E;
	s24 =	sld [smem:$0x3FFE];
	[sflag:s23] =	ssyncadd.s32 $0xFFFFFFFF  }
0xa5: {  	s26 =	simm.s32 $execute0_lowered;
	[smem:$0x3FD2] =	sst s25  }
0xa6: {  	s5 =	sshll.u32 s26, $0x1;
	_ =	strace $0x80000046;
	[dreg:$0x1] =	wrdreg $0xFFFFFFFF  }
0xa7: {  	s28 =	simm.s32 $_size_execute0_lowered;
	s3 =	sadd.s32 s3, s5;
	[dreg:$0x0] =	wrdreg $0x0  }
0xa8: {  	s5 =	sshll.u32 s28, $0x1;
	[dreg:$0x2] =	wrdreg s3  }
0xa9: {  	[dreg:$0x3] =	wrdreg s5  }
0xaa: {  	[dreg:$0x4] =	wrdreg $0xC0  }
0xab: {  	_ =	task [dreg:s7], $0x5FFFF  }
0xac: {  	[dreg:$0x1] =	wrdreg $0xFFFFFFFF  }
0xad: {  	[dreg:$0x0] =	wrdreg $0x60  }
0xae: {  	[dreg:$0x2] =	wrdreg s24  }
0xaf: {  	[dreg:$0x3] =	wrdreg s2  }
0xb0: {  	[dreg:$0x4] =	wrdreg $0x2B000  }
0xb1: {  	[dreg:$0x5] =	wrdreg $0x9  }
0xb2: {  	_ =	task.clear_ibuf [dreg:s7], $0x6FFFF;
	_ =	strace $0x90000046  }
0xb3: {  	s29 =	simm.s32 $0x9;
	_ =	strace $0x80000048  }
0xb4: {  	_ =	swait.ge [sflag:s29], $0x1  }
0xb5: {  	[sflag:s29] =	ssyncadd.s32 $0xFFFFFFFF  }
0xb6: {  	_ =	strace $0x90000048  }
0xb7: {  	_ =	sfence  }
0xb8: {  	s30 =	sld [smem:$0x0];
	_ =	sdelay $0x2  }
0xb9: {  	s31 =	sshll.u32 s1, $0xD;
	s1 =	sshrl.u32 s1, $0x2  }
0xba: {  	s3 =	sand.u32 $0x4000, s31;
	s1 =	sadd.s32 s1, s30  }
0xbb: {  	s0 =	sor.u32 s3, s0;
	s1 =	sshll.u32 s1, $0x11  }
0xbc: {  	s0 =	sor.u32 s1, s0  }
0xbd: {  	s0 =	sadd.s32 $0x8F2B, s0  }
0xbe: {  	[sflag:s0] =	ssyncadd.remote.s32 $0x1  }
0xbf: {  	_ =	sfence.sel $0xFFFF  }
0xc0: {  	[dreg:$0x0] =	wrdreg $0xFFFFFFFF;
	(pc) =	sbr.abs _section_cstart, $3  }
0xc1: {  	[dreg:$0x1] =	wrdreg $0xFFFFFFFF  }
0xc2: {  	_ =	task.clear_ibuf [dreg:s7], $0x2FFFF;
	_ =	strace $0x9FFFFFFF  }
0xc3: {  	(tm) =	ssettm $0x7FFFFFFF  }
tec
execute0_lowered:
.L_overlay_start_1:
0x0: {  	(tag) =	ssettag $0x1  }
0x1: {  	s4 =	rddreg [dreg:$0x0]  }
0x2: {  	s6 =	rddreg [dreg:$0x1];
	s1 =	srdreg.scid  }
0x3: {  	s0 =	stileid.u32;
	s2 =	rddreg [dreg:$0x2]  }
0x4: {  	s3 =	simm.s32 $0x0;
	s11 =	simm.s32 $0x2800;
	s12 =	simm.s32 $0x1  }
0x5: {  	s15 =	simm.s32 $0x20;
	s16 =	simm.s32 $0x10;
	s17 =	simm.s32 $0x0  }
0x6: {  	s5 =	sand.u32 $0x1, s1;
	s1 =	rddreg [dreg:$0x3];
	s8 =	smul.u32 $0x500, s0  }
0x7: {  	s7 =	sshll.u32 s0, $0x1;
	[smem:$0x7FF] =	sst s3;
	s10 =	smul.u32 $0xA00, s0  }
0x8: {  	s13 =	sshll.u32 s0, $0x6;
	s7 =	sor.u32 s5, s7;
	_ =	strace $0x80000047  }
0x9: {  	s9 =	ssub.s32 $0x2, s5;
	s5 =	sshll.u32 s5, $0x7;
	s13 =	sor.u32 $0x1C02, s13  }
0xa: {  	s7 =	smul.u32 $0x500, s7;
	s28 =	sshrl.u32 s9, $0x1;
	s5 =	sor.u32 s5, s8  }
0xb: {  	s30 =	sshrl.u32 s10, $0x2;
	s8 =	simm.s32 $0x2880;
	s10 =	simm.s32 $0x80  }
0xc: {  	s29 =	ssub.s32 s9, s28;
	s31 =	sshrl.u32 s5, $0x3;
	s9 =	simm.s32 $0x2  }
0xd: {  	s7 =	sadd.s32 s7, s4;
	s4 =	sadd.s32 s30, s2;
	s6 =	sadd.s32 s6, s31  }
0xe: {  	v0 =	vimm.f32 $0.0e+00;
	v1 =	vimm.f32 $1.000000000e+00;
	s5 =	sadd.s32 $0x1400, s7;
	s7 =	smax.u32 s29, $0x1;
	s14 =	sshrl.u32 s4, $0x3  }
.LBB2_1:
0xf: {  	[tilespmem:$0x2880] =	vst v0  }
0x10: {  	[tilespmem:$0x2890] =	vst v0  }
0x11: {  	[tilespmem:$0x28A0] =	vst v0  }
0x12: {  	[tilespmem:$0x28B0] =	vst v0  }
0x13: {  	[tilespmem:$0x28C0] =	vst v0  }
0x14: {  	[tilespmem:$0x28D0] =	vst v0  }
0x15: {  	[tilespmem:$0x28E0] =	vst v0  }
0x16: {  	[tilespmem:$0x28F0] =	vst v0  }
0x17: {  	[tilespmem:$0x2900] =	vst v0  }
0x18: {  	[tilespmem:$0x2910] =	vst v0  }
0x19: {  	[tilespmem:$0x2920] =	vst v0  }
0x1a: {  	[tilespmem:$0x2930] =	vst v0  }
0x1b: {  	[tilespmem:$0x2940] =	vst v0  }
0x1c: {  	[tilespmem:$0x2950] =	vst v0  }
0x1d: {  	[tilespmem:$0x2960] =	vst v0  }
0x1e: {  	[tilespmem:$0x2970] =	vst v0  }
0x1f: {  	[tilespmem:$0x2980] =	vst v0  }
0x20: {  	[tilespmem:$0x2990] =	vst v0  }
0x21: {  	[tilespmem:$0x29A0] =	vst v0  }
0x22: {  	[tilespmem:$0x29B0] =	vst v0  }
0x23: {  	[tilespmem:$0x29C0] =	vst v0  }
0x24: {  	[tilespmem:$0x29D0] =	vst v0  }
0x25: {  	[tilespmem:$0x29E0] =	vst v0  }
0x26: {  	[tilespmem:$0x29F0] =	vst v0  }
0x27: {  	[tilespmem:$0x2A00] =	vst v0  }
0x28: {  	[tilespmem:$0x2A10] =	vst v0  }
0x29: {  	[tilespmem:$0x2A20] =	vst v0  }
0x2a: {  	[tilespmem:$0x2A30] =	vst v0  }
0x2b: {  	[tilespmem:$0x2A40] =	vst v0  }
0x2c: {  	[tilespmem:$0x2A50] =	vst v0  }
0x2d: {  	[tilespmem:$0x2A60] =	vst v0  }
0x2e: {  	[tilespmem:$0x2A70] =	vst v0  }
0x2f: {  	[tilespmem:$0x2A80] =	vst v0  }
0x30: {  	[tilespmem:$0x2A90] =	vst v0  }
0x31: {  	[tilespmem:$0x2AA0] =	vst v0  }
0x32: {  	[tilespmem:$0x2AB0] =	vst v0  }
0x33: {  	[tilespmem:$0x2AC0] =	vst v0  }
0x34: {  	[tilespmem:$0x2AD0] =	vst v0  }
0x35: {  	[tilespmem:$0x2AE0] =	vst v0  }
0x36: {  	[tilespmem:$0x2AF0] =	vst v0  }
0x37: {  	[spmem:s4] =	stream.linear.scatter [tilespmem:s8], [sflag:$0x2], $0x280, $0x38;
	[tilespmem:$0x2D80] =	vst v63  }
0x38: {  	_ =	swait.ge [sflag:s9], $0x280  }
0x39: {  	[sflag:s9] =	ssyncset.done $0x0  }
0x3a: {  	[sflag:s9] =	ssyncadd.s32 $0xFFFFFD80  }
0x3b: {  	[tilespmem:s3], [sflag:$0x2] =	stream.linear.gather [hbm4b:s5+s3], $0x2800, $0x38;
	[tilespmem:$0x2D80] =	vst v63  }
0x3c: {  	_ =	swait.ge [sflag:s9], $0x2800  }
0x3d: {  	[sflag:s9] =	ssyncset.done $0x0  }
0x3e: {  	[sflag:s9] =	ssyncadd.s32 $0xFFFFD800  }
0x3f: {  	[tilespmem:$0x2800] =	vst v1  }
0x40: {  	[tilespmem:$0x2810] =	vst v1  }
0x41: {  	[tilespmem:$0x2820] =	vst v1  }
0x42: {  	[tilespmem:$0x2830] =	vst v1  }
0x43: {  	[tilespmem:$0x2840] =	vst v1  }
0x44: {  	[tilespmem:$0x2850] =	vst v1  }
0x45: {  	[tilespmem:$0x2860] =	vst v1  }
0x46: {  	s18 =	simm.s32 $0x70;
	[tilespmem:$0x2870] =	vst v1  }
0x47: {  	v4 =	vld [tilespmem:s18+$0xFFFFFF90]  }
0x48: {  	v6 =	vld [tilespmem:s18+$0xFFFFFFA0]  }
0x49: {  	v5 =	vld [tilespmem:s18+$0xFFFFFFB0]  }
0x4a: {  	v3 =	vld [tilespmem:s18+$0xFFFFFFC0]  }
0x4b: {  	v2 =	vld [tilespmem:s18+$0xFFFFFFD0]  }
0x4c: {  	s19 =	simm.s32 $0x3C0;
	v7 =	vand.u32 $0x3FFF, v4;
	v4 =	vld [tilespmem:s18+$0xFFFFFFE0]  }
.LBB2_2:
0x4d: {  	p0 =	sne.s32 s19, $0x9FC0;
	[tilespmem:s18+$0xFFFFFF90] =	vst v7;
	v6 =	vand.u32 $0x3FFF, v6;
	v7 =	vld [tilespmem:s18+$0x0]  }
0x4e: {  	s20 =	sshra.s32 s19, $0x2;
	[tilespmem:s18+$0xFFFFFFA0] =	vst v6;
	v5 =	vand.u32 $0x3FFF, v5;
	v8 =	vld [tilespmem:s18+$0xFFFFFFF0]  }
0x4f: {  	v9 =	vld [tilespmem:s20+$0xFFFFFF90];
	[tilespmem:s18+$0xFFFFFFB0] =	vst v5;
	v3 =	vand.u32 $0x3FFF, v3  }
.Ltmp0:
0x50: {  	v6 =	vld [tilespmem:s20+$0xFFFFFFA0];
	[tilespmem:s18+$0xFFFFFFC0] =	vst v3;
	v2 =	vand.u32 $0x3FFF, v2;
	(pc) =	sbr.rel @p0 .LBB2_2-.Ltmp0, $4  }
0x51: {  	v5 =	vld [tilespmem:s20+$0xFFFFFFB0];
	[tilespmem:s18+$0xFFFFFFD0] =	vst v2;
	v2 =	vand.u32 $0x3FFF, v4  }
0x52: {  	v3 =	vld [tilespmem:s20+$0xFFFFFFC0];
	[tilespmem:s18+$0xFFFFFFE0] =	vst v2;
	v4 =	vand.u32 $0x3FFF, v7  }
0x53: {  	v2 =	vld [tilespmem:s20+$0xFFFFFFD0];
	v8 =	vand.u32 $0x3FFF, v8;
	[tilespmem:s18+$0x0] =	vst v4  }
0x54: {  	s19 =	sadd.s32 $0x200, s19;
	v7 =	vand.u32 $0x3FFF, v9;
	v4 =	vld [tilespmem:s20+$0xFFFFFFE0];
	[tilespmem:s18+$0xFFFFFFF0] =	vst v8;
	s18 =	smov.u32 s20  }
0x55: {  	[tilespmem:s18+$0xFFFFFF90] =	vst v7;
	v6 =	vand.u32 $0x3FFF, v6;
	v62 =	vld [tilespmem:s18+$0x0]  }
0x56: {  	v63 =	vld [tilespmem:s18+$0xFFFFFFF0];
	[tilespmem:s18+$0xFFFFFFA0] =	vst v6;
	v5 =	vand.u32 $0x3FFF, v5  }
0x57: {  	[tilespmem:s18+$0xFFFFFFB0] =	vst v5;
	v3 =	vand.u32 $0x3FFF, v3  }
0x58: {  	[tilespmem:s18+$0xFFFFFFC0] =	vst v3;
	v2 =	vand.u32 $0x3FFF, v2  }
0x59: {  	[tilespmem:s18+$0xFFFFFFD0] =	vst v2;
	v2 =	vand.u32 $0x3FFF, v4  }
0x5a: {  	[tilespmem:s18+$0xFFFFFFE0] =	vst v2;
	v2 =	vand.u32 $0x3FFF, v62  }
0x5b: {  	v3 =	vand.u32 $0x3FFF, v63;
	[tilespmem:s18+$0x0] =	vst v2  }
0x5c: {  	[tilespmem:s18+$0xFFFFFFF0] =	vst v3  }
0x5d: {  	s18 =	simm.s32 $0x0;
	[bflag:$0x0] =	sbarrier.arrive $0xFFFF  }
.LBB2_4:
0x5e: {  	p0 =	sne.s32 s18, $0x9E00  }
.Ltmp1:
0x5f: {  	_ = 	snop;
	(pc) =	sbr.rel @p0 .LBB2_4-.Ltmp1, $3  }
0x60: {  	_ =	sdelay $0x1  }
0x61: {  	s19 =	sshra.s32 s18, $0x2;
	s18 =	sadd.s32 $0x200, s18  }
0x62: {  	[spmem:s2] =	stream.indirect.scatter.add.f32 [tilespmem:s11], [sflag:$0x1], $0x1, s19, s10, $0xb8;
	[tilespmem:$0x2D80] =	vst v63  }
0x63: {  	_ =	swait.ge [sflag:s12], $0x80  }
0x64: {  	s18 =	simm.s32 $0x4F;
	[sflag:s12] =	ssyncset.done $0x0  }
.LBB2_6:
0x65: {  	p0 =	sne.s32 s18, $0x1;
	s18 =	sadd.s32 $0xFFFFFFFF, s18;
	[sflag:s12] =	ssyncadd.s32 $0xFFFFFF80  }
.Ltmp2:
0x66: {  	(pc) =	sbr.rel @p0 .LBB2_6-.Ltmp2, $3  }
0x67: {  	_ =	sdelay $0x1  }
0x68: {  	_ =	swait.ge [sflag:s12], $0x80  }
0x69: {  	[sflag:s12] =	ssyncset.done $0x0  }
0x6a: {  	s17 =	sadd.s32 $0x1, s17  }
0x6b: {  	[sflag:s12] =	ssyncadd.s32 $0xFFFFFF80;
	p0 =	sne.s32 s17, s7  }
.Ltmp3:
0x6c: {  	[bflag:$0x0] =	sbarrier.arrive $0xFFFF;
	(pc) =	sbr.rel @p0 .LBB2_1-.Ltmp3, $4  }
0x6d: {  	[hbm:s6@s15], [sflag:s13] =	dma.strided [spmem:s14@s16], $0x50, s12, $0x10   }
0x6e: {  	_ =	swait.ge [sflag:s9], $0x50  }
0x6f: {  	[sflag:s9] =	ssyncset.done $0x0  }
0x70: {  	[sflag:s9] =	ssyncadd.s32 $0xFFFFFFB0  }
0x71: {  	_ =	sfence.sel $0x180000  }
0x72: {  	[bflag:$0x0] =	sbarrier.arrive $0xFFFF  }
0x73: {  	p0 =	sne.s32 s0, $0x0;
	_ =	strace $0x90000047  }
0x74: {  	s0 =	sadd.s32 @!p0 $0x100000, s1;
	[bflag:$0x2] =	sbarrier.arrive $0xFFFF  }
0x75: {  	[sflag:s0] =	ssyncadd.tile.s32 @!p0 $0x1;
	_ =	shalt  }
.Lfunc_end2:
_tile_overlayer_lowered:
.L_overlay_start_2:
0x76: {  	(tag) =	ssettag $0x2  }
0x77: {  	s0 =	rddreg [dreg:$0x0];
	s2 =	stileid.u32  }
0x78: {  	s1 =	rddreg [dreg:$0x1];
	p0 =	sne.s32 s2, $0x0  }
0x79: {  	s3 =	rddreg [dreg:$0x2];
	[bflag:$0x3] =	sbarrier.arrive $0xFFFF;
	s2 =	simm.s32 @!p0 $0x1C02  }
0x7a: {  	[timem:s3], [sflag:s2] =	dma.local @!p0 [hbm:s0], s1  }
0x7b: {  	s0 =	simm.s32 @!p0 $0x2  }
0x7c: {  	_ =	swait.ge @!p0 [sflag:s0], s1  }
0x7d: {  	s1 =	ssub.s32 @!p0 $0x0, s1;
	[sflag:s0] =	ssyncset.done @!p0 $0x0  }
0x7e: {  	[sflag:s0] =	ssyncadd.s32 @!p0 s1  }
0x7f: {  	[bflag:$0x3] =	sbarrier.arrive $0xFFFF  }
0x80: {  	_ =	shalt  }

// kernel: kernel.9.cloned.1.call-start
scs
__scs_entry_jumppad:
0x0: {  	(pc) =	sbr.rel $0x88, $3  }
0x1: {  	(tag) =	ssettag $0x0;
	lr =	simm.s32 $0x1  }
0x2: {  	[smem:$0x3F9D] =	sst lr;
	_ =	strace $0xD0000000  }
0x3: {  	_ = 	snop  }
0x4: {  	_ = 	snop  }
0x5: {  	_ = 	snop  }
0x6: {  	_ = 	snop  }
0x7: {  	_ = 	snop  }
__scs_overlays_trampoline_lowered:
0x8: {  	[smem:$0x3FAC] =	sst s0  }
0x9: {  	[smem:$0x3FAD] =	sst s1  }
0xa: {  	[smem:$0x3FAE] =	sst s2  }
0xb: {  	[smem:$0x3FAF] =	sst s3  }
0xc: {  	[smem:$0x3FB0] =	sst s4  }
0xd: {  	[smem:$0x3FB1] =	sst s5  }
0xe: {  	[smem:$0x3FB2] =	sst s6  }
0xf: {  	[smem:$0x3FB3] =	sst s7  }
0x10: {  	[smem:$0x3FB4] =	sst s8  }
0x11: {  	[smem:$0x3FB5] =	sst s9;
	s0 =	simm.s32 @!p0 $0x0  }
0x12: {  	s1 =	sld [smem:$0x3F9B];
	s0 =	simm.s32 @p0 $0x1  }
0x13: {  	[smem:$0x3FB6] =	sst s0;
	s0 =	simm.s32 @!p1 $0x0  }
0x14: {  	s2 =	sld [smem:$0x3F9A];
	s0 =	simm.s32 @p1 $0x1  }
0x15: {  	[smem:$0x3FB7] =	sst s0;
	s0 =	simm.s32 @!p2 $0x0  }
0x16: {  	s3 =	sld [smem:$0x3FDB];
	s0 =	simm.s32 @p2 $0x1  }
0x17: {  	s4 =	simm.s32 $0x1BF5;
	[smem:$0x3FB9] =	sst s0  }
0x18: {  	s0 =	sld [smem:$0x3F9C];
	_ =	swait.ge [sflag:s4], $0x0  }
0x19: {  	s7 =	sld [smem:$0x3F9D]  }
0x1a: {  	s8 =	sadd.s32 $0xFFFFE003, lr  }
0x1b: {  	s9 =	sadd.s32 $0xFFFFFEF7, lr;
	s5 =	simm.s32 $0xFFFFFFFF;
	p2 =	slt.u32 s8, $0xFFFFF086  }
0x1c: {  	p1 =	slt.u32 s9, $0xF7A;
	s5 =	simm.s32 @!p2 $0x0  }
0x1d: {  	s5 =	simm.s32 @p1 $0x1;
	p0 =	seq.s32 s7, s2  }
0x1e: {  	s7 =	smul.u32 @!p0 $0xF7A, s2;
	p2 =	seq.s32 @!p0 s5, $0x0  }
0x1f: {  	s9 =	smul.u32 $0xF7A, s1;
	s8 =	simm.s32 @!p0 $0x1BF5;
	p2 =	por !p2, p0  }
0x20: {  	[sflag:s8] =	ssyncset.s32 @!p0 $0xFFFFF086;
	s6 =	sadd.s32 @!p0 s3, s7;
	s7 =	simm.s32 @!p0 $0x108  }
0x21: {  	s3 =	sadd.s32 s3, s9;
	s6 =	sadd.s32 @!p0 $0x88, s6;
	s7 =	simm.s32 @p2 $0x1082  }
0x22: {  	[simem:s7], [sflag:s8] =	dma.local @!p0 [hbm:s6], $0xF7A  }
0x23: {  	s9 =	sor.u32 $0xD0000000, s2;
	s6 =	simm.s32 $0x108;
	_ =	swait.ge @!p0 [sflag:s8], $0x0  }
0x24: {  	s3 =	sadd.s32 $0x88, s3;
	s6 =	simm.s32 @!p1 $0x1082;
	[sflag:s4] =	ssyncset.s32 $0xFFFFF086  }
0x25: {  	[simem:s6], [sflag:s4] =	dma.local [hbm:s3], $0xF7A  }
0x26: {  	[smem:$0x3F9D] =	sst s1;
	(tag) =	ssettag s2;
	_ =	strace s9  }
0x27: {  	s1 =	sld [smem:$0x3FAD]  }
0x28: {  	s2 =	sld [smem:$0x3FAE]  }
0x29: {  	s4 =	sld [smem:$0x3FB0]  }
0x2a: {  	p0 =	seq.s32 s5, $0x0;
	s5 =	sld [smem:$0x3FB1]  }
0x2b: {  	s6 =	sld [smem:$0x3FB2]  }
0x2c: {  	s7 =	sld [smem:$0x3FB3]  }
0x2d: {  	s3 =	simm.s32 $0x108;
	s8 =	sld [smem:$0x3FB4]  }
0x2e: {  	s3 =	simm.s32 @!p0 $0x1082;
	s9 =	sld [smem:$0x3FB5]  }
0x2f: {  	lr =	sadd.s32 s0, s3;
	s0 =	sld [smem:$0x3FAC]  }
0x30: {  	s3 =	sld [smem:$0x3FAF]  }
0x31: {  	[smem:$0x3FB8] =	sst s10  }
0x32: {  	s10 =	sld [smem:$0x3FB6];
	_ =	sdelay $0x3  }
0x33: {  	p0 =	seq.s32 s10, $0x1;
	s10 =	sld [smem:$0x3FB8];
	_ =	sdelay $0x3  }
0x34: {  	[smem:$0x3FB8] =	sst s10  }
0x35: {  	s10 =	sld [smem:$0x3FB7];
	_ =	sdelay $0x3  }
0x36: {  	p1 =	seq.s32 s10, $0x1;
	s10 =	sld [smem:$0x3FB8];
	_ =	sdelay $0x3  }
0x37: {  	[smem:$0x3FB8] =	sst s10  }
0x38: {  	s10 =	sld [smem:$0x3FB9]  }
0x39: {  	_ = 	snop;
	(pc) =	sbr.ind lr, $3  }
0x3a: {  	_ = 	snop  }
0x3b: {  	_ = 	snop  }
0x3c: {  	p2 =	seq.s32 s10, $0x1;
	s10 =	sld [smem:$0x3FB8]  }
0x3d: {  	_ =	shalt  }
0x3e: {  	_ =	shalt  }
0x3f: {  	_ =	shalt  }
0x40: {  	_ =	shalt  }
0x41: {  	_ =	shalt  }
0x42: {  	_ =	shalt  }
0x43: {  	_ =	shalt  }
0x44: {  	_ =	shalt  }
0x45: {  	_ =	shalt  }
0x46: {  	_ =	shalt  }
0x47: {  	_ =	shalt  }
0x48: {  	_ =	shalt  }
0x49: {  	_ =	shalt  }
0x4a: {  	_ =	shalt  }
0x4b: {  	_ =	shalt  }
0x4c: {  	_ =	shalt  }
0x4d: {  	_ =	shalt  }
0x4e: {  	_ =	shalt  }
0x4f: {  	_ =	shalt  }
0x50: {  	_ =	shalt  }
0x51: {  	_ =	shalt  }
0x52: {  	_ =	shalt  }
0x53: {  	_ =	shalt  }
0x54: {  	_ =	shalt  }
0x55: {  	_ =	shalt  }
0x56: {  	_ =	shalt  }
0x57: {  	_ =	shalt  }
0x58: {  	_ =	shalt  }
0x59: {  	_ =	shalt  }
0x5a: {  	_ =	shalt  }
0x5b: {  	_ =	shalt  }
0x5c: {  	_ =	shalt  }
0x5d: {  	_ =	shalt  }
0x5e: {  	_ =	shalt  }
0x5f: {  	_ =	shalt  }
0x60: {  	_ =	shalt  }
0x61: {  	_ =	shalt  }
0x62: {  	_ =	shalt  }
0x63: {  	_ =	shalt  }
0x64: {  	_ =	shalt  }
0x65: {  	_ =	shalt  }
0x66: {  	_ =	shalt  }
0x67: {  	_ =	shalt  }
0x68: {  	_ =	shalt  }
0x69: {  	_ =	shalt  }
0x6a: {  	_ =	shalt  }
0x6b: {  	_ =	shalt  }
0x6c: {  	_ =	shalt  }
0x6d: {  	_ =	shalt  }
0x6e: {  	_ =	shalt  }
0x6f: {  	_ =	shalt  }
0x70: {  	_ =	shalt  }
0x71: {  	_ =	shalt  }
0x72: {  	_ =	shalt  }
0x73: {  	_ =	shalt  }
0x74: {  	_ =	shalt  }
0x75: {  	_ =	shalt  }
0x76: {  	_ =	shalt  }
0x77: {  	_ =	shalt  }
0x78: {  	_ =	shalt  }
0x79: {  	_ =	shalt  }
0x7a: {  	_ =	shalt  }
0x7b: {  	_ =	shalt  }
0x7c: {  	_ =	shalt  }
0x7d: {  	_ =	shalt  }
0x7e: {  	_ =	shalt  }
0x7f: {  	_ =	shalt  }
0x80: {  	_ =	shalt  }
0x81: {  	_ =	shalt  }
0x82: {  	_ =	shalt  }
0x83: {  	_ =	shalt  }
0x84: {  	_ =	shalt  }
0x85: {  	_ =	shalt  }
0x86: {  	_ =	shalt  }
0x87: {  	_ =	shalt  }
.Lfunc_end0:
.L_simem_size_0:
called_computation.1_lowered:
.L_overlay_start_0:
0x88: {  	s2 =	sld [smem:$0x3FD9]  }
0x89: {  	s3 =	sld [smem:$0x3FFE];
	_ =	sdelay $0x1  }
0x8a: {  	s1 =	srdreg.scid  }
0x8b: {  	s0 =	sand.u32 $0x1, s1  }
0x8c: {  	s17 =	sshll.u32 s0, $0xA;
	s2 =	sadd.s32 s3, s2  }
0x8d: {  	s2 =	sadd.s32 s2, s17  }
0x8e: {  	[smem:$0x3FC4] =	sst s2  }
0x8f: {  	_ = 	snop  }
0x90: {  	s2 =	sld [smem:$0x3FD0];
	(tm) =	ssettm $0x1  }
0x91: {  	s18 =	sld [smem:$0x3FFB];
	_ =	sdelay $0x3  }
0x92: {  	_ =	strace s18  }
0x93: {  	s3 =	sld [smem:$0x3FFC];
	_ =	sdelay $0x3  }
0x94: {  	_ =	strace s3  }
0x95: {  	s3 =	sld [smem:$0x3FFD];
	_ =	sdelay $0x3  }
0x96: {  	_ =	strace s3  }
0x97: {  	_ =	strace $0x8FFFFFFF  }
0x98: {  	s19 =	sld [smem:$0x3FDB];
	_ =	sdelay $0x1  }
0x99: {  	s4 =	simm.s32 $_scs_section_size  }
0x9a: {  	s5 =	simm.s32 $_size__tile_overlayer_lowered;
	s6 =	simm.s32 $_tile_overlayer_lowered  }
0x9b: {  	s22 =	simm.s32 $0x1BFF;
	s21 =	sshll.u32 s6, $0x1;
	s3 =	sadd.s32 s4, s19  }
0x9c: {  	s7 =	simm.s32 $0x0;
	s20 =	sshll.u32 s5, $0x1;
	s5 =	sadd.s32 s21, s3  }
0x9d: {  	[timem:s7], [sflag:s22] =	dma.local [hbm:s5], s20  }
0x9e: {  	_ =	swait.ge [sflag:s22], s20  }
0x9f: {  	s4 =	ssub.s32 $0x0, s20;
	[sflag:s22] =	ssyncset.done $0x0  }
0xa0: {  	[sflag:s22] =	ssyncadd.s32 s4;
	_ =	sdelay $0x1  }
0xa1: {  	s23 =	simm.s32 $0x1B8B  }
0xa2: {  	_ =	swait.ge [sflag:s23], $0x1  }
0xa3: {  	[sflag:s23] =	ssyncset.done $0x0  }
0xa4: {  	s25 =	simm.s32 $0x1B8E;
	s24 =	sld [smem:$0x3FFE];
	[sflag:s23] =	ssyncadd.s32 $0xFFFFFFFF  }
0xa5: {  	s26 =	simm.s32 $execute0_lowered;
	[smem:$0x3FD2] =	sst s25  }
0xa6: {  	s5 =	sshll.u32 s26, $0x1;
	_ =	strace $0x80000049;
	[dreg:$0x1] =	wrdreg $0xFFFFFFFF  }
0xa7: {  	s28 =	simm.s32 $_size_execute0_lowered;
	s3 =	sadd.s32 s3, s5;
	[dreg:$0x0] =	wrdreg $0x0  }
0xa8: {  	s5 =	sshll.u32 s28, $0x1;
	[dreg:$0x2] =	wrdreg s3  }
0xa9: {  	[dreg:$0x3] =	wrdreg s5  }
0xaa: {  	[dreg:$0x4] =	wrdreg $0xC0  }
0xab: {  	_ =	task [dreg:s7], $0x5FFFF  }
0xac: {  	[dreg:$0x1] =	wrdreg $0xFFFFFFFF  }
0xad: {  	[dreg:$0x0] =	wrdreg $0x60  }
0xae: {  	[dreg:$0x2] =	wrdreg s24  }
0xaf: {  	[dreg:$0x3] =	wrdreg s2  }
0xb0: {  	[dreg:$0x4] =	wrdreg $0xAC000  }
0xb1: {  	[dreg:$0x5] =	wrdreg $0x9  }
0xb2: {  	_ =	task.clear_ibuf [dreg:s7], $0x6FFFF;
	_ =	strace $0x90000049  }
0xb3: {  	s29 =	simm.s32 $0x9;
	_ =	strace $0x8000004B  }
0xb4: {  	_ =	swait.ge [sflag:s29], $0x1  }
0xb5: {  	[sflag:s29] =	ssyncadd.s32 $0xFFFFFFFF  }
0xb6: {  	_ =	strace $0x9000004B  }
0xb7: {  	_ =	sfence  }
0xb8: {  	s30 =	sld [smem:$0x0];
	_ =	sdelay $0x2  }
0xb9: {  	s31 =	sshll.u32 s1, $0xD;
	s1 =	sshrl.u32 s1, $0x2  }
0xba: {  	s3 =	sand.u32 $0x4000, s31;
	s1 =	sadd.s32 s1, s30  }
0xbb: {  	s0 =	sor.u32 s3, s0;
	s1 =	sshll.u32 s1, $0x11  }
0xbc: {  	s0 =	sor.u32 s1, s0  }
0xbd: {  	s0 =	sadd.s32 $0x8F2B, s0  }
0xbe: {  	[sflag:s0] =	ssyncadd.remote.s32 $0x1  }
0xbf: {  	_ =	sfence.sel $0xFFFF  }
0xc0: {  	[dreg:$0x0] =	wrdreg $0xFFFFFFFF;
	(pc) =	sbr.abs _section_cstart, $3  }
0xc1: {  	[dreg:$0x1] =	wrdreg $0xFFFFFFFF  }
0xc2: {  	_ =	task.clear_ibuf [dreg:s7], $0x2FFFF;
	_ =	strace $0x9FFFFFFF  }
0xc3: {  	(tm) =	ssettm $0x7FFFFFFF  }
tec
execute0_lowered:
.L_overlay_start_1:
0x0: {  	(tag) =	ssettag $0x1  }
0x1: {  	s1 =	srdreg.scid;
	s5 =	rddreg [dreg:$0x0]  }
0x2: {  	s0 =	stileid.u32;
	s2 =	rddreg [dreg:$0x1]  }
0x3: {  	s3 =	rddreg [dreg:$0x2];
	s4 =	simm.s32 $0x0;
	s14 =	simm.s32 $0x3  }
0x4: {  	s15 =	simm.s32 $0x80;
	s16 =	simm.s32 $0x2800;
	s17 =	simm.s32 $0x1  }
0x5: {  	s18 =	simm.s32 $0x2A00;
	s19 =	simm.s32 $0x2880;
	s20 =	simm.s32 $0x6C00  }
0x6: {  	s21 =	simm.s32 $0x2A80;
	s22 =	simm.s32 $0x2;
	s23 =	simm.s32 $0x2900  }
0x7: {  	s24 =	simm.s32 $0x2B00;
	s25 =	simm.s32 $0x2980;
	s9 =	smul.u32 $0x14000, s0  }
0x8: {  	s6 =	sand.u32 $0x1, s1;
	s28 =	sshll.u32 s0, $0x1;
	s10 =	smul.u32 $0x50000, s0  }
0x9: {  	s26 =	simm.s32 $0x2B80;
	s1 =	sor.u32 s6, s28;
	s8 =	smul.u32 $0x140000, s6  }
0xa: {  	[smem:$0x7FF] =	sst s4;
	s6 =	ssub.s32 $0x2, s6;
	s7 =	smul.u32 $0x500, s1  }
0xb: {  	s1 =	rddreg [dreg:$0x3];
	_ =	strace $0x8000004A;
	s29 =	sadd.s32 s9, s8  }
0xc: {  	s31 =	sshrl.u32 s10, $0x2;
	s11 =	sadd.s32 s7, s5;
	s7 =	sshrl.u32 s29, $0x3  }
0xd: {  	s30 =	sshrl.u32 s6, $0x1;
	s12 =	sadd.s32 s7, s5;
	s5 =	sadd.s32 s31, s3  }
0xe: {  	s13 =	ssub.s32 s6, s30;
	s10 =	sadd.s32 $0x1400, s11;
	s6 =	sadd.s32 $0x4000, s5  }
0xf: {  	s7 =	sadd.s32 $0x8000, s5;
	s8 =	sadd.s32 $0xC000, s5;
	s9 =	sadd.s32 $0x10000, s5  }
0x10: {  	v0 =	vimm.f32 $0.0e+00;
	s11 =	sadd.s32 $0xB400, s12;
	s12 =	smax.u32 s13, $0x1;
	s13 =	simm.s32 $0x2C00  }
.LBB2_1:
0x11: {  	s28 =	simm.s32 $0x0;
	s29 =	simm.s32 $0x200  }
.LBB2_2:
0x12: {  	p0 =	sne.s32 s29, $0xFE00;
	[tilespmem:s28+$0x2C70] =	vst v0  }
0x13: {  	[tilespmem:s28+$0x2C00] =	vst v0  }
0x14: {  	[tilespmem:s28+$0x2C10] =	vst v0  }
.Ltmp0:
0x15: {  	[tilespmem:s28+$0x2C20] =	vst v0;
	(pc) =	sbr.rel @p0 .LBB2_2-.Ltmp0, $4  }
0x16: {  	[tilespmem:s28+$0x2C30] =	vst v0  }
0x17: {  	[tilespmem:s28+$0x2C40] =	vst v0  }
0x18: {  	[tilespmem:s28+$0x2C50] =	vst v0  }
0x19: {  	[tilespmem:s28+$0x2C60] =	vst v0;
	s28 =	sshra.s32 s29, $0x2;
	s29 =	sadd.s32 $0x200, s29  }
0x1a: {  	[tilespmem:s28+$0x2C70] =	vst v0  }
0x1b: {  	[tilespmem:s28+$0x2C00] =	vst v0  }
0x1c: {  	[tilespmem:s28+$0x2C10] =	vst v0  }
0x1d: {  	[tilespmem:s28+$0x2C20] =	vst v0  }
0x1e: {  	[tilespmem:s28+$0x2C30] =	vst v0  }
0x1f: {  	[tilespmem:s28+$0x2C40] =	vst v0  }
0x20: {  	[tilespmem:s28+$0x2C50] =	vst v0  }
0x21: {  	[tilespmem:s28+$0x2C60] =	vst v0  }
0x22: {  	[spmem:s5] =	stream.linear.scatter [tilespmem:s13], [sflag:$0x3], $0x4000, $0x38;
	[tilespmem:$0x1EC00] =	vst v63  }
0x23: {  	_ =	swait.ge [sflag:s14], $0x4000  }
0x24: {  	[sflag:s14] =	ssyncset.done $0x0  }
0x25: {  	[sflag:s14] =	ssyncadd.s32 $0xFFFFC000  }
0x26: {  	[spmem:s6] =	stream.linear.scatter [tilespmem:s13], [sflag:$0x3], $0x4000, $0x38;
	[tilespmem:$0x1EC00] =	vst v63  }
0x27: {  	_ =	swait.ge [sflag:s14], $0x4000  }
0x28: {  	[sflag:s14] =	ssyncset.done $0x0  }
0x29: {  	[sflag:s14] =	ssyncadd.s32 $0xFFFFC000  }
0x2a: {  	[spmem:s7] =	stream.linear.scatter [tilespmem:s13], [sflag:$0x3], $0x4000, $0x38;
	[tilespmem:$0x1EC00] =	vst v63  }
0x2b: {  	_ =	swait.ge [sflag:s14], $0x4000  }
0x2c: {  	[sflag:s14] =	ssyncset.done $0x0  }
0x2d: {  	[sflag:s14] =	ssyncadd.s32 $0xFFFFC000  }
0x2e: {  	[spmem:s8] =	stream.linear.scatter [tilespmem:s13], [sflag:$0x3], $0x4000, $0x38;
	[tilespmem:$0x1EC00] =	vst v63  }
0x2f: {  	_ =	swait.ge [sflag:s14], $0x4000  }
0x30: {  	[sflag:s14] =	ssyncset.done $0x0  }
0x31: {  	[sflag:s14] =	ssyncadd.s32 $0xFFFFC000  }
0x32: {  	[spmem:s9] =	stream.linear.scatter [tilespmem:s13], [sflag:$0x3], $0x4000, $0x38;
	[tilespmem:$0x1EC00] =	vst v63  }
0x33: {  	_ =	swait.ge [sflag:s14], $0x4000  }
0x34: {  	[sflag:s14] =	ssyncset.done $0x0  }
0x35: {  	s28 =	simm.s32 $0x0;
	[sflag:s14] =	ssyncadd.s32 $0xFFFFC000  }
0x36: {  	[tilespmem:s28], [sflag:$0x3] =	stream.linear.gather [hbm4b:s10+s28], $0x2800, $0x38;
	[tilespmem:$0x1EC00] =	vst v63  }
0x37: {  	_ =	swait.ge [sflag:s14], $0x2800  }
0x38: {  	[sflag:s14] =	ssyncset.done $0x0  }
0x39: {  	[sflag:s14] =	ssyncadd.s32 $0xFFFFD800  }
0x3a: {  	[bflag:$0x0] =	sbarrier.arrive $0xFFFF  }
0x3b: {  	v1 =	vld [tilespmem:$0x0];
	_ =	sdelay $0x1  }
0x3c: {  	v2 =	vld [tilespmem:$0x10];
	_ =	sdelay $0x1  }
0x3d: {  	v3 =	vld [tilespmem:$0x20]  }
0x3e: {  	v4 =	vshrl.u32 v1, $0xE  }
0x3f: {  	v56 =	vld [tilespmem:$0x30];
	v1 =	vand.u32 $0x3FFF, v1;
	[tilespmem:$0x2800] =	vst v4  }
0x40: {  	[tilespmem:$0x2A00] =	vst v1;
	v1 =	vshrl.u32 v2, $0xE  }
0x41: {  	[tilespmem:$0x2810] =	vst v1;
	v1 =	vand.u32 $0x3FFF, v2;
	v2 =	vld [tilespmem:$0x40]  }
0x42: {  	[tilespmem:$0x2A10] =	vst v1;
	v1 =	vshrl.u32 v3, $0xE  }
0x43: {  	[tilespmem:$0x2820] =	vst v1;
	v1 =	vand.u32 $0x3FFF, v3;
	v3 =	vld [tilespmem:$0x50]  }
0x44: {  	[tilespmem:$0x2A20] =	vst v1;
	v1 =	vshrl.u32 v56, $0xE  }
0x45: {  	v57 =	vld [tilespmem:$0x60];
	[tilespmem:$0x2830] =	vst v1;
	v1 =	vand.u32 $0x3FFF, v56  }
0x46: {  	[tilespmem:$0x2A30] =	vst v1;
	v1 =	vshrl.u32 v2, $0xE  }
0x47: {  	[tilespmem:$0x2840] =	vst v1;
	v1 =	vand.u32 $0x3FFF, v2;
	v2 =	vld [tilespmem:$0x70]  }
0x48: {  	[tilespmem:$0x2A40] =	vst v1;
	v1 =	vshrl.u32 v3, $0xE  }
0x49: {  	[tilespmem:$0x2850] =	vst v1;
	v1 =	vand.u32 $0x3FFF, v3  }
0x4a: {  	[tilespmem:$0x2A50] =	vst v1;
	v1 =	vshrl.u32 v57, $0xE  }
0x4b: {  	[tilespmem:$0x2860] =	vst v1;
	v1 =	vand.u32 $0x3FFF, v57  }
0x4c: {  	[tilespmem:$0x2A60] =	vst v1;
	v1 =	vshrl.u32 v2, $0xE  }
0x4d: {  	[tilespmem:$0x2870] =	vst v1;
	v1 =	vand.u32 $0x3FFF, v2  }
0x4e: {  	[tilespmem:$0x2A70] =	vst v1  }
0x4f: {  	[tilespmem:s13], [sflag:$0x1] =	stream.indirect.gather [hbm4b:s2+s15], $0x80, s16, s15, $0xb8;
	[tilespmem:$0x1EC00] =	vst v63  }
0x50: {  	v1 =	vld [tilespmem:$0x80];
	_ =	sdelay $0x1  }
0x51: {  	v2 =	vld [tilespmem:$0x90];
	_ =	sdelay $0x1  }
0x52: {  	v3 =	vld [tilespmem:$0xA0]  }
0x53: {  	v58 =	vshrl.u32 v1, $0xE  }
0x54: {  	v59 =	vld [tilespmem:$0xB0];
	v1 =	vand.u32 $0x3FFF, v1;
	[tilespmem:$0x2880] =	vst v58  }
0x55: {  	[tilespmem:$0x2A80] =	vst v1;
	v1 =	vshrl.u32 v2, $0xE  }
0x56: {  	[tilespmem:$0x2890] =	vst v1;
	v1 =	vand.u32 $0x3FFF, v2;
	v2 =	vld [tilespmem:$0xC0]  }
0x57: {  	[tilespmem:$0x2A90] =	vst v1;
	v1 =	vshrl.u32 v3, $0xE  }
0x58: {  	[tilespmem:$0x28A0] =	vst v1;
	v1 =	vand.u32 $0x3FFF, v3;
	v3 =	vld [tilespmem:$0xD0]  }
0x59: {  	[tilespmem:$0x2AA0] =	vst v1;
	v1 =	vshrl.u32 v59, $0xE  }
0x5a: {  	v60 =	vld [tilespmem:$0xE0];
	[tilespmem:$0x28B0] =	vst v1;
	v1 =	vand.u32 $0x3FFF, v59  }
0x5b: {  	[tilespmem:$0x2AB0] =	vst v1;
	v1 =	vshrl.u32 v2, $0xE  }
0x5c: {  	[tilespmem:$0x28C0] =	vst v1;
	v1 =	vand.u32 $0x3FFF, v2;
	v2 =	vld [tilespmem:$0xF0]  }
0x5d: {  	[tilespmem:$0x2AC0] =	vst v1;
	v1 =	vshrl.u32 v3, $0xE  }
0x5e: {  	[tilespmem:$0x28D0] =	vst v1;
	v1 =	vand.u32 $0x3FFF, v3  }
0x5f: {  	[tilespmem:$0x2AD0] =	vst v1;
	v1 =	vshrl.u32 v60, $0xE  }
0x60: {  	[tilespmem:$0x28E0] =	vst v1;
	v1 =	vand.u32 $0x3FFF, v60  }
0x61: {  	[tilespmem:$0x2AE0] =	vst v1;
	v1 =	vshrl.u32 v2, $0xE  }
0x62: {  	[tilespmem:$0x28F0] =	vst v1;
	v1 =	vand.u32 $0x3FFF, v2  }
0x63: {  	[tilespmem:$0x2AF0] =	vst v1  }
0x64: {  	_ =	swait.ge [sflag:s17], $0x4000  }
0x65: {  	[sflag:s17] =	ssyncset.done $0x0  }
0x66: {  	[sflag:s17] =	ssyncadd.s32 $0xFFFFC000  }
0x67: {  	[spmem:s3] =	stream.indirect.scatter.add.f32 [tilespmem:s13], [sflag:$0x2], $0x80, s18, s15, $0xb8;
	[tilespmem:$0x1EC00] =	vst v63  }
0x68: {  	_ = 	snop  }
0x69: {  	[tilespmem:s20], [sflag:$0x1] =	stream.indirect.gather [hbm4b:s2+s15], $0x80, s19, s15, $0xb8;
	[tilespmem:$0x1EC00] =	vst v63  }
0x6a: {  	v1 =	vld [tilespmem:$0x100];
	_ =	sdelay $0x1  }
0x6b: {  	v2 =	vld [tilespmem:$0x110];
	_ =	sdelay $0x1  }
0x6c: {  	v3 =	vld [tilespmem:$0x120]  }
0x6d: {  	v61 =	vshrl.u32 v1, $0xE  }
0x6e: {  	v62 =	vld [tilespmem:$0x130];
	v1 =	vand.u32 $0x3FFF, v1;
	[tilespmem:$0x2900] =	vst v61  }
0x6f: {  	[tilespmem:$0x2B00] =	vst v1;
	v1 =	vshrl.u32 v2, $0xE  }
0x70: {  	[tilespmem:$0x2910] =	vst v1;
	v1 =	vand.u32 $0x3FFF, v2;
	v2 =	vld [tilespmem:$0x140]  }
0x71: {  	[tilespmem:$0x2B10] =	vst v1;
	v1 =	vshrl.u32 v3, $0xE  }
0x72: {  	[tilespmem:$0x2920] =	vst v1;
	v1 =	vand.u32 $0x3FFF, v3;
	v3 =	vld [tilespmem:$0x150]  }
0x73: {  	[tilespmem:$0x2B20] =	vst v1;
	v1 =	vshrl.u32 v62, $0xE  }
0x74: {  	v63 =	vld [tilespmem:$0x160];
	[tilespmem:$0x2930] =	vst v1;
	v1 =	vand.u32 $0x3FFF, v62  }
0x75: {  	[tilespmem:$0x2B30] =	vst v1;
	v1 =	vshrl.u32 v2, $0xE  }
0x76: {  	[tilespmem:$0x2940] =	vst v1;
	v1 =	vand.u32 $0x3FFF, v2;
	v2 =	vld [tilespmem:$0x170]  }
0x77: {  	[tilespmem:$0x2B40] =	vst v1;
	v1 =	vshrl.u32 v3, $0xE  }
0x78: {  	[tilespmem:$0x2950] =	vst v1;
	v1 =	vand.u32 $0x3FFF, v3  }
0x79: {  	[tilespmem:$0x2B50] =	vst v1;
	v1 =	vshrl.u32 v63, $0xE  }
0x7a: {  	[tilespmem:$0x2960] =	vst v1;
	v1 =	vand.u32 $0x3FFF, v63  }
0x7b: {  	[tilespmem:$0x2B60] =	vst v1;
	v1 =	vshrl.u32 v2, $0xE  }
0x7c: {  	[tilespmem:$0x2970] =	vst v1;
	v1 =	vand.u32 $0x3FFF, v2  }
0x7d: {  	[tilespmem:$0x2B70] =	vst v1  }
0x7e: {  	_ =	swait.ge [sflag:s17], $0x4000  }
0x7f: {  	[sflag:s17] =	ssyncset.done $0x0  }
0x80: {  	[sflag:s17] =	ssyncadd.s32 $0xFFFFC000  }
0x81: {  	[spmem:s3] =	stream.indirect.scatter.add.f32 [tilespmem:s20], [sflag:$0x2], $0x80, s21, s15, $0xb8;
	[tilespmem:$0x1EC00] =	vst v63  }
0x82: {  	_ =	swait.ge [sflag:s22], $0x4000  }
0x83: {  	[sflag:s22] =	ssyncset.done $0x0  }
0x84: {  	s28 =	simm.s32 $0x0;
	[sflag:s22] =	ssyncadd.s32 $0xFFFFC000  }
0x85: {  	[tilespmem:s13], [sflag:$0x1] =	stream.indirect.gather [hbm4b:s2+s15], $0x80, s23, s15, $0xb8;
	[tilespmem:$0x1EC00] =	vst v63  }
0x86: {  	v1 =	vld [tilespmem:s28+$0x180];
	_ =	sdelay $0x4  }
0x87: {  	v2 =	vshrl.u32 v1, $0xE  }
0x88: {  	v1 =	vand.u32 $0x3FFF, v1;
	[tilespmem:$0x2980] =	vst v2  }
0x89: {  	[tilespmem:$0x2B80] =	vst v1  }
0x8a: {  	v1 =	vld [tilespmem:s28+$0x190];
	_ =	sdelay $0x4  }
0x8b: {  	v2 =	vshrl.u32 v1, $0xE  }
0x8c: {  	v1 =	vand.u32 $0x3FFF, v1;
	[tilespmem:$0x2990] =	vst v2  }
0x8d: {  	[tilespmem:$0x2B90] =	vst v1  }
0x8e: {  	v1 =	vld [tilespmem:s28+$0x1A0];
	_ =	sdelay $0x4  }
0x8f: {  	v2 =	vshrl.u32 v1, $0xE  }
0x90: {  	v1 =	vand.u32 $0x3FFF, v1;
	[tilespmem:$0x29A0] =	vst v2  }
0x91: {  	[tilespmem:$0x2BA0] =	vst v1  }
0x92: {  	v1 =	vld [tilespmem:s28+$0x1B0];
	_ =	sdelay $0x4  }
0x93: {  	v2 =	vshrl.u32 v1, $0xE  }
0x94: {  	v1 =	vand.u32 $0x3FFF, v1;
	[tilespmem:$0x29B0] =	vst v2  }
0x95: {  	[tilespmem:$0x2BB0] =	vst v1  }
0x96: {  	v1 =	vld [tilespmem:s28+$0x1C0];
	_ =	sdelay $0x4  }
0x97: {  	v2 =	vshrl.u32 v1, $0xE  }
0x98: {  	v1 =	vand.u32 $0x3FFF, v1;
	[tilespmem:$0x29C0] =	vst v2  }
0x99: {  	[tilespmem:$0x2BC0] =	vst v1  }
0x9a: {  	v1 =	vld [tilespmem:s28+$0x1D0];
	_ =	sdelay $0x4  }
0x9b: {  	v2 =	vshrl.u32 v1, $0xE  }
0x9c: {  	v1 =	vand.u32 $0x3FFF, v1;
	[tilespmem:$0x29D0] =	vst v2  }
0x9d: {  	[tilespmem:$0x2BD0] =	vst v1  }
0x9e: {  	v1 =	vld [tilespmem:s28+$0x1E0];
	_ =	sdelay $0x4  }
0x9f: {  	v2 =	vshrl.u32 v1, $0xE  }
0xa0: {  	v1 =	vand.u32 $0x3FFF, v1;
	[tilespmem:$0x29E0] =	vst v2  }
0xa1: {  	[tilespmem:$0x2BE0] =	vst v1  }
0xa2: {  	v1 =	vld [tilespmem:s28+$0x1F0];
	_ =	sdelay $0x4  }
0xa3: {  	v2 =	vshrl.u32 v1, $0xE  }
0xa4: {  	v1 =	vand.u32 $0x3FFF, v1;
	[tilespmem:$0x29F0] =	vst v2  }
0xa5: {  	[tilespmem:$0x2BF0] =	vst v1  }
0xa6: {  	_ =	swait.ge [sflag:s17], $0x4000  }
0xa7: {  	[sflag:s17] =	ssyncset.done $0x0  }
0xa8: {  	[sflag:s17] =	ssyncadd.s32 $0xFFFFC000  }
0xa9: {  	[spmem:s3] =	stream.indirect.scatter.add.f32 [tilespmem:s13], [sflag:$0x2], $0x80, s24, s15, $0xb8;
	[tilespmem:$0x1EC00] =	vst v63  }
0xaa: {  	_ =	swait.ge [sflag:s22], $0x4000  }
0xab: {  	[sflag:s22] =	ssyncset.done $0x0  }
0xac: {  	[sflag:s22] =	ssyncadd.s32 $0xFFFFC000  }
0xad: {  	[tilespmem:s20], [sflag:$0x1] =	stream.indirect.gather [hbm4b:s2+s15], $0x80, s25, s15, $0xb8;
	[tilespmem:$0x1EC00] =	vst v63  }
0xae: {  	v1 =	vld [tilespmem:s28+$0x200];
	_ =	sdelay $0x4  }
0xaf: {  	v2 =	vshrl.u32 v1, $0xE  }
0xb0: {  	v1 =	vand.u32 $0x3FFF, v1;
	[tilespmem:$0x2800] =	vst v2  }
0xb1: {  	[tilespmem:$0x2A00] =	vst v1  }
0xb2: {  	v1 =	vld [tilespmem:s28+$0x210];
	_ =	sdelay $0x4  }
0xb3: {  	v2 =	vshrl.u32 v1, $0xE  }
0xb4: {  	v1 =	vand.u32 $0x3FFF, v1;
	[tilespmem:$0x2810] =	vst v2  }
0xb5: {  	[tilespmem:$0x2A10] =	vst v1  }
0xb6: {  	v1 =	vld [tilespmem:s28+$0x220];
	_ =	sdelay $0x4  }
0xb7: {  	v2 =	vshrl.u32 v1, $0xE  }
0xb8: {  	v1 =	vand.u32 $0x3FFF, v1;
	[tilespmem:$0x2820] =	vst v2  }
0xb9: {  	[tilespmem:$0x2A20] =	vst v1  }
0xba: {  	v1 =	vld [tilespmem:s28+$0x230];
	_ =	sdelay $0x4  }
0xbb: {  	v2 =	vshrl.u32 v1, $0xE  }
0xbc: {  	v1 =	vand.u32 $0x3FFF, v1;
	[tilespmem:$0x2830] =	vst v2  }
0xbd: {  	[tilespmem:$0x2A30] =	vst v1  }
0xbe: {  	v1 =	vld [tilespmem:s28+$0x240];
	_ =	sdelay $0x4  }
0xbf: {  	v2 =	vshrl.u32 v1, $0xE  }
0xc0: {  	v1 =	vand.u32 $0x3FFF, v1;
	[tilespmem:$0x2840] =	vst v2  }
0xc1: {  	[tilespmem:$0x2A40] =	vst v1  }
0xc2: {  	v1 =	vld [tilespmem:s28+$0x250];
	_ =	sdelay $0x4  }
0xc3: {  	v2 =	vshrl.u32 v1, $0xE  }
0xc4: {  	v1 =	vand.u32 $0x3FFF, v1;
	[tilespmem:$0x2850] =	vst v2  }
0xc5: {  	[tilespmem:$0x2A50] =	vst v1  }
0xc6: {  	v1 =	vld [tilespmem:s28+$0x260];
	_ =	sdelay $0x4  }
0xc7: {  	v2 =	vshrl.u32 v1, $0xE  }
0xc8: {  	v1 =	vand.u32 $0x3FFF, v1;
	[tilespmem:$0x2860] =	vst v2  }
0xc9: {  	[tilespmem:$0x2A60] =	vst v1  }
0xca: {  	v1 =	vld [tilespmem:s28+$0x270];
	_ =	sdelay $0x4  }
0xcb: {  	v2 =	vshrl.u32 v1, $0xE  }
0xcc: {  	v1 =	vand.u32 $0x3FFF, v1;
	[tilespmem:$0x2870] =	vst v2  }
0xcd: {  	[tilespmem:$0x2A70] =	vst v1  }
0xce: {  	_ =	swait.ge [sflag:s17], $0x4000  }
0xcf: {  	[sflag:s17] =	ssyncset.done $0x0  }
0xd0: {  	[sflag:s17] =	ssyncadd.s32 $0xFFFFC000  }
0xd1: {  	[spmem:s3] =	stream.indirect.scatter.add.f32 [tilespmem:s20], [sflag:$0x2], $0x80, s26, s15, $0xb8;
	[tilespmem:$0x1EC00] =	vst v63  }
0xd2: {  	_ =	swait.ge [sflag:s22], $0x4000  }
0xd3: {  	[sflag:s22] =	ssyncset.done $0x0  }
0xd4: {  	[sflag:s22] =	ssyncadd.s32 $0xFFFFC000  }
0xd5: {  	[tilespmem:s13], [sflag:$0x1] =	stream.indirect.gather [hbm4b:s2+s15], $0x80, s16, s15, $0xb8;
	[tilespmem:$0x1EC00] =	vst v63  }
0xd6: {  	v1 =	vld [tilespmem:s28+$0x280];
	_ =	sdelay $0x4  }
0xd7: {  	v2 =	vshrl.u32 v1, $0xE  }
0xd8: {  	v1 =	vand.u32 $0x3FFF, v1;
	[tilespmem:$0x2880] =	vst v2  }
0xd9: {  	[tilespmem:$0x2A80] =	vst v1  }
0xda: {  	v1 =	vld [tilespmem:s28+$0x290];
	_ =	sdelay $0x4  }
0xdb: {  	v2 =	vshrl.u32 v1, $0xE  }
0xdc: {  	v1 =	vand.u32 $0x3FFF, v1;
	[tilespmem:$0x2890] =	vst v2  }
0xdd: {  	[tilespmem:$0x2A90] =	vst v1  }
0xde: {  	v1 =	vld [tilespmem:s28+$0x2A0];
	_ =	sdelay $0x4  }
0xdf: {  	v2 =	vshrl.u32 v1, $0xE  }
0xe0: {  	v1 =	vand.u32 $0x3FFF, v1;
	[tilespmem:$0x28A0] =	vst v2  }
0xe1: {  	[tilespmem:$0x2AA0] =	vst v1  }
0xe2: {  	v1 =	vld [tilespmem:s28+$0x2B0];
	_ =	sdelay $0x4  }
0xe3: {  	v2 =	vshrl.u32 v1, $0xE  }
0xe4: {  	v1 =	vand.u32 $0x3FFF, v1;
	[tilespmem:$0x28B0] =	vst v2  }
0xe5: {  	[tilespmem:$0x2AB0] =	vst v1  }
0xe6: {  	v1 =	vld [tilespmem:s28+$0x2C0];
	_ =	sdelay $0x4  }
0xe7: {  	v2 =	vshrl.u32 v1, $0xE  }
0xe8: {  	v1 =	vand.u32 $0x3FFF, v1;
	[tilespmem:$0x28C0] =	vst v2  }
0xe9: {  	[tilespmem:$0x2AC0] =	vst v1  }
0xea: {  	v1 =	vld [tilespmem:s28+$0x2D0];
	_ =	sdelay $0x4  }
0xeb: {  	v2 =	vshrl.u32 v1, $0xE  }
0xec: {  	v1 =	vand.u32 $0x3FFF, v1;
	[tilespmem:$0x28D0] =	vst v2  }
0xed: {  	[tilespmem:$0x2AD0] =	vst v1  }
0xee: {  	v1 =	vld [tilespmem:s28+$0x2E0];
	_ =	sdelay $0x4  }
0xef: {  	v2 =	vshrl.u32 v1, $0xE  }
0xf0: {  	v1 =	vand.u32 $0x3FFF, v1;
	[tilespmem:$0x28E0] =	vst v2  }
0xf1: {  	[tilespmem:$0x2AE0] =	vst v1  }
0xf2: {  	v1 =	vld [tilespmem:s28+$0x2F0];
	_ =	sdelay $0x4  }
0xf3: {  	v2 =	vshrl.u32 v1, $0xE  }
0xf4: {  	v1 =	vand.u32 $0x3FFF, v1;
	[tilespmem:$0x28F0] =	vst v2  }
0xf5: {  	[tilespmem:$0x2AF0] =	vst v1  }
0xf6: {  	_ =	swait.ge [sflag:s17], $0x4000  }
0xf7: {  	[sflag:s17] =	ssyncset.done $0x0  }
0xf8: {  	[sflag:s17] =	ssyncadd.s32 $0xFFFFC000  }
0xf9: {  	[spmem:s3] =	stream.indirect.scatter.add.f32 [tilespmem:s13], [sflag:$0x2], $0x80, s18, s15, $0xb8;
	[tilespmem:$0x1EC00] =	vst v63  }
0xfa: {  	_ =	swait.ge [sflag:s22], $0x4000  }
0xfb: {  	[sflag:s22] =	ssyncset.done $0x0  }
0xfc: {  	[sflag:s22] =	ssyncadd.s32 $0xFFFFC000  }
0xfd: {  	[tilespmem:s20], [sflag:$0x1] =	stream.indirect.gather [hbm4b:s2+s15], $0x80, s19, s15, $0xb8;
	[tilespmem:$0x1EC00] =	vst v63  }
0xfe: {  	v1 =	vld [tilespmem:s28+$0x300];
	_ =	sdelay $0x4  }
0xff: {  	v2 =	vshrl.u32 v1, $0xE  }
0x100: {  	v1 =	vand.u32 $0x3FFF, v1;
	[tilespmem:$0x2900] =	vst v2  }
0x101: {  	[tilespmem:$0x2B00] =	vst v1  }
0x102: {  	v1 =	vld [tilespmem:s28+$0x310];
	_ =	sdelay $0x4  }
0x103: {  	v2 =	vshrl.u32 v1, $0xE  }
0x104: {  	v1 =	vand.u32 $0x3FFF, v1;
	[tilespmem:$0x2910] =	vst v2  }
0x105: {  	[tilespmem:$0x2B10] =	vst v1  }
0x106: {  	v1 =	vld [tilespmem:s28+$0x320];
	_ =	sdelay $0x4  }
0x107: {  	v2 =	vshrl.u32 v1, $0xE  }
0x108: {  	v1 =	vand.u32 $0x3FFF, v1;
	[tilespmem:$0x2920] =	vst v2  }
0x109: {  	[tilespmem:$0x2B20] =	vst v1  }
0x10a: {  	v1 =	vld [tilespmem:s28+$0x330];
	_ =	sdelay $0x4  }
0x10b: {  	v2 =	vshrl.u32 v1, $0xE  }
0x10c: {  	s29 =	simm.s32 $0x800;
	v1 =	vand.u32 $0x3FFF, v1;
	[tilespmem:$0x2930] =	vst v2  }
.LBB2_4:
0x10d: {  	p0 =	sne.s32 s29, $0x9000;
	[tilespmem:$0x2B30] =	vst v1;
	s30 =	smov.u32 s29;
	s29 =	sadd.s32 $0x800, s29  }
0x10e: {  	v1 =	vld [tilespmem:s28+$0x340];
	_ =	sdelay $0x4  }
0x10f: {  	v2 =	vshrl.u32 v1, $0xE;
	v1 =	vand.u32 $0x3FFF, v1  }
0x110: {  	[tilespmem:$0x2940] =	vst v2  }
0x111: {  	[tilespmem:$0x2B40] =	vst v1  }
0x112: {  	v1 =	vld [tilespmem:s28+$0x350];
	_ =	sdelay $0x4  }
0x113: {  	v2 =	vshrl.u32 v1, $0xE;
	v1 =	vand.u32 $0x3FFF, v1  }
0x114: {  	[tilespmem:$0x2950] =	vst v2  }
0x115: {  	[tilespmem:$0x2B50] =	vst v1  }
0x116: {  	v1 =	vld [tilespmem:s28+$0x360];
	_ =	sdelay $0x4  }
0x117: {  	v2 =	vshrl.u32 v1, $0xE;
	v1 =	vand.u32 $0x3FFF, v1  }
0x118: {  	[tilespmem:$0x2960] =	vst v2  }
0x119: {  	[tilespmem:$0x2B60] =	vst v1  }
0x11a: {  	v1 =	vld [tilespmem:s28+$0x370];
	_ =	sdelay $0x4  }
0x11b: {  	v2 =	vshrl.u32 v1, $0xE;
	v1 =	vand.u32 $0x3FFF, v1  }
0x11c: {  	[tilespmem:$0x2970] =	vst v2  }
0x11d: {  	[tilespmem:$0x2B70] =	vst v1  }
0x11e: {  	_ =	swait.ge [sflag:s17], $0x4000  }
0x11f: {  	[sflag:s17] =	ssyncset.done $0x0  }
0x120: {  	[sflag:s17] =	ssyncadd.s32 $0xFFFFC000  }
0x121: {  	[spmem:s3] =	stream.indirect.scatter.add.f32 [tilespmem:s20], [sflag:$0x2], $0x80, s21, s15, $0xb8;
	[tilespmem:$0x1EC00] =	vst v63  }
0x122: {  	_ =	swait.ge [sflag:s22], $0x4000  }
0x123: {  	[sflag:s22] =	ssyncset.done $0x0  }
0x124: {  	s28 =	sshra.s32 s30, $0x2;
	[sflag:s22] =	ssyncadd.s32 $0xFFFFC000  }
0x125: {  	[tilespmem:s13], [sflag:$0x1] =	stream.indirect.gather [hbm4b:s2+s15], $0x80, s23, s15, $0xb8;
	[tilespmem:$0x1EC00] =	vst v63  }
0x126: {  	v1 =	vld [tilespmem:s28+$0x180];
	_ =	sdelay $0x4  }
0x127: {  	v2 =	vshrl.u32 v1, $0xE;
	v1 =	vand.u32 $0x3FFF, v1  }
0x128: {  	[tilespmem:$0x2980] =	vst v2  }
0x129: {  	[tilespmem:$0x2B80] =	vst v1  }
0x12a: {  	v1 =	vld [tilespmem:s28+$0x190];
	_ =	sdelay $0x4  }
0x12b: {  	v2 =	vshrl.u32 v1, $0xE;
	v1 =	vand.u32 $0x3FFF, v1  }
0x12c: {  	[tilespmem:$0x2990] =	vst v2  }
0x12d: {  	[tilespmem:$0x2B90] =	vst v1  }
0x12e: {  	v1 =	vld [tilespmem:s28+$0x1A0];
	_ =	sdelay $0x4  }
0x12f: {  	v2 =	vshrl.u32 v1, $0xE;
	v1 =	vand.u32 $0x3FFF, v1  }
0x130: {  	[tilespmem:$0x29A0] =	vst v2  }
0x131: {  	[tilespmem:$0x2BA0] =	vst v1  }
0x132: {  	v1 =	vld [tilespmem:s28+$0x1B0];
	_ =	sdelay $0x4  }
0x133: {  	v2 =	vshrl.u32 v1, $0xE;
	v1 =	vand.u32 $0x3FFF, v1  }
0x134: {  	[tilespmem:$0x29B0] =	vst v2  }
0x135: {  	[tilespmem:$0x2BB0] =	vst v1  }
0x136: {  	v1 =	vld [tilespmem:s28+$0x1C0];
	_ =	sdelay $0x4  }
0x137: {  	v2 =	vshrl.u32 v1, $0xE;
	v1 =	vand.u32 $0x3FFF, v1  }
0x138: {  	[tilespmem:$0x29C0] =	vst v2  }
0x139: {  	[tilespmem:$0x2BC0] =	vst v1  }
0x13a: {  	v1 =	vld [tilespmem:s28+$0x1D0];
	_ =	sdelay $0x4  }
0x13b: {  	v2 =	vshrl.u32 v1, $0xE;
	v1 =	vand.u32 $0x3FFF, v1  }
0x13c: {  	[tilespmem:$0x29D0] =	vst v2  }
0x13d: {  	[tilespmem:$0x2BD0] =	vst v1  }
0x13e: {  	v1 =	vld [tilespmem:s28+$0x1E0];
	_ =	sdelay $0x4  }
0x13f: {  	v2 =	vshrl.u32 v1, $0xE;
	v1 =	vand.u32 $0x3FFF, v1  }
0x140: {  	[tilespmem:$0x29E0] =	vst v2  }
0x141: {  	[tilespmem:$0x2BE0] =	vst v1  }
0x142: {  	v1 =	vld [tilespmem:s28+$0x1F0];
	_ =	sdelay $0x4  }
0x143: {  	v2 =	vshrl.u32 v1, $0xE;
	v1 =	vand.u32 $0x3FFF, v1  }
0x144: {  	[tilespmem:$0x29F0] =	vst v2  }
0x145: {  	[tilespmem:$0x2BF0] =	vst v1  }
0x146: {  	_ =	swait.ge [sflag:s17], $0x4000  }
0x147: {  	[sflag:s17] =	ssyncset.done $0x0  }
0x148: {  	[sflag:s17] =	ssyncadd.s32 $0xFFFFC000  }
0x149: {  	[spmem:s3] =	stream.indirect.scatter.add.f32 [tilespmem:s13], [sflag:$0x2], $0x80, s24, s15, $0xb8;
	[tilespmem:$0x1EC00] =	vst v63  }
0x14a: {  	_ =	swait.ge [sflag:s22], $0x4000  }
0x14b: {  	[sflag:s22] =	ssyncset.done $0x0  }
0x14c: {  	[sflag:s22] =	ssyncadd.s32 $0xFFFFC000  }
0x14d: {  	[tilespmem:s20], [sflag:$0x1] =	stream.indirect.gather [hbm4b:s2+s15], $0x80, s25, s15, $0xb8;
	[tilespmem:$0x1EC00] =	vst v63  }
0x14e: {  	v1 =	vld [tilespmem:s28+$0x200];
	_ =	sdelay $0x4  }
0x14f: {  	v2 =	vshrl.u32 v1, $0xE;
	v1 =	vand.u32 $0x3FFF, v1  }
0x150: {  	[tilespmem:$0x2800] =	vst v2  }
0x151: {  	[tilespmem:$0x2A00] =	vst v1  }
0x152: {  	v1 =	vld [tilespmem:s28+$0x210];
	_ =	sdelay $0x4  }
0x153: {  	v2 =	vshrl.u32 v1, $0xE;
	v1 =	vand.u32 $0x3FFF, v1  }
0x154: {  	[tilespmem:$0x2810] =	vst v2  }
0x155: {  	[tilespmem:$0x2A10] =	vst v1  }
0x156: {  	v1 =	vld [tilespmem:s28+$0x220];
	_ =	sdelay $0x4  }
0x157: {  	v2 =	vshrl.u32 v1, $0xE;
	v1 =	vand.u32 $0x3FFF, v1  }
0x158: {  	[tilespmem:$0x2820] =	vst v2  }
0x159: {  	[tilespmem:$0x2A20] =	vst v1  }
0x15a: {  	v1 =	vld [tilespmem:s28+$0x230];
	_ =	sdelay $0x4  }
0x15b: {  	v2 =	vshrl.u32 v1, $0xE;
	v1 =	vand.u32 $0x3FFF, v1  }
0x15c: {  	[tilespmem:$0x2830] =	vst v2  }
0x15d: {  	[tilespmem:$0x2A30] =	vst v1  }
0x15e: {  	v1 =	vld [tilespmem:s28+$0x240];
	_ =	sdelay $0x4  }
0x15f: {  	v2 =	vshrl.u32 v1, $0xE;
	v1 =	vand.u32 $0x3FFF, v1  }
0x160: {  	[tilespmem:$0x2840] =	vst v2  }
0x161: {  	[tilespmem:$0x2A40] =	vst v1  }
0x162: {  	v1 =	vld [tilespmem:s28+$0x250];
	_ =	sdelay $0x4  }
0x163: {  	v2 =	vshrl.u32 v1, $0xE;
	v1 =	vand.u32 $0x3FFF, v1  }
0x164: {  	[tilespmem:$0x2850] =	vst v2  }
0x165: {  	[tilespmem:$0x2A50] =	vst v1  }
0x166: {  	v1 =	vld [tilespmem:s28+$0x260];
	_ =	sdelay $0x4  }
0x167: {  	v2 =	vshrl.u32 v1, $0xE;
	v1 =	vand.u32 $0x3FFF, v1  }
0x168: {  	[tilespmem:$0x2860] =	vst v2  }
0x169: {  	[tilespmem:$0x2A60] =	vst v1  }
0x16a: {  	v1 =	vld [tilespmem:s28+$0x270];
	_ =	sdelay $0x4  }
0x16b: {  	v2 =	vshrl.u32 v1, $0xE;
	v1 =	vand.u32 $0x3FFF, v1  }
0x16c: {  	[tilespmem:$0x2870] =	vst v2  }
0x16d: {  	[tilespmem:$0x2A70] =	vst v1  }
0x16e: {  	_ =	swait.ge [sflag:s17], $0x4000  }
0x16f: {  	[sflag:s17] =	ssyncset.done $0x0  }
0x170: {  	[sflag:s17] =	ssyncadd.s32 $0xFFFFC000  }
0x171: {  	[spmem:s3] =	stream.indirect.scatter.add.f32 [tilespmem:s20], [sflag:$0x2], $0x80, s26, s15, $0xb8;
	[tilespmem:$0x1EC00] =	vst v63  }
0x172: {  	_ =	swait.ge [sflag:s22], $0x4000  }
0x173: {  	[sflag:s22] =	ssyncset.done $0x0  }
0x174: {  	[sflag:s22] =	ssyncadd.s32 $0xFFFFC000  }
0x175: {  	[tilespmem:s13], [sflag:$0x1] =	stream.indirect.gather [hbm4b:s2+s15], $0x80, s16, s15, $0xb8;
	[tilespmem:$0x1EC00] =	vst v63  }
0x176: {  	v1 =	vld [tilespmem:s28+$0x280];
	_ =	sdelay $0x4  }
0x177: {  	v2 =	vshrl.u32 v1, $0xE;
	v1 =	vand.u32 $0x3FFF, v1  }
0x178: {  	[tilespmem:$0x2880] =	vst v2  }
0x179: {  	[tilespmem:$0x2A80] =	vst v1  }
0x17a: {  	v1 =	vld [tilespmem:s28+$0x290];
	_ =	sdelay $0x4  }
0x17b: {  	v2 =	vshrl.u32 v1, $0xE;
	v1 =	vand.u32 $0x3FFF, v1  }
0x17c: {  	[tilespmem:$0x2890] =	vst v2  }
0x17d: {  	[tilespmem:$0x2A90] =	vst v1  }
0x17e: {  	v1 =	vld [tilespmem:s28+$0x2A0];
	_ =	sdelay $0x4  }
0x17f: {  	v2 =	vshrl.u32 v1, $0xE;
	v1 =	vand.u32 $0x3FFF, v1  }
0x180: {  	[tilespmem:$0x28A0] =	vst v2  }
0x181: {  	[tilespmem:$0x2AA0] =	vst v1  }
0x182: {  	v1 =	vld [tilespmem:s28+$0x2B0];
	_ =	sdelay $0x4  }
0x183: {  	v2 =	vshrl.u32 v1, $0xE;
	v1 =	vand.u32 $0x3FFF, v1  }
0x184: {  	[tilespmem:$0x28B0] =	vst v2  }
0x185: {  	[tilespmem:$0x2AB0] =	vst v1  }
0x186: {  	v1 =	vld [tilespmem:s28+$0x2C0];
	_ =	sdelay $0x4  }
0x187: {  	v2 =	vshrl.u32 v1, $0xE;
	v1 =	vand.u32 $0x3FFF, v1  }
0x188: {  	[tilespmem:$0x28C0] =	vst v2  }
0x189: {  	[tilespmem:$0x2AC0] =	vst v1  }
0x18a: {  	v1 =	vld [tilespmem:s28+$0x2D0];
	_ =	sdelay $0x4  }
0x18b: {  	v2 =	vshrl.u32 v1, $0xE;
	v1 =	vand.u32 $0x3FFF, v1  }
0x18c: {  	[tilespmem:$0x28D0] =	vst v2  }
0x18d: {  	[tilespmem:$0x2AD0] =	vst v1  }
0x18e: {  	v1 =	vld [tilespmem:s28+$0x2E0];
	_ =	sdelay $0x4  }
0x18f: {  	v2 =	vshrl.u32 v1, $0xE;
	v1 =	vand.u32 $0x3FFF, v1  }
0x190: {  	[tilespmem:$0x28E0] =	vst v2  }
0x191: {  	[tilespmem:$0x2AE0] =	vst v1  }
0x192: {  	v1 =	vld [tilespmem:s28+$0x2F0];
	_ =	sdelay $0x4  }
0x193: {  	v2 =	vshrl.u32 v1, $0xE;
	v1 =	vand.u32 $0x3FFF, v1  }
0x194: {  	[tilespmem:$0x28F0] =	vst v2  }
0x195: {  	[tilespmem:$0x2AF0] =	vst v1  }
0x196: {  	_ =	swait.ge [sflag:s17], $0x4000  }
0x197: {  	[sflag:s17] =	ssyncset.done $0x0  }
0x198: {  	[sflag:s17] =	ssyncadd.s32 $0xFFFFC000  }
0x199: {  	[spmem:s3] =	stream.indirect.scatter.add.f32 [tilespmem:s13], [sflag:$0x2], $0x80, s18, s15, $0xb8;
	[tilespmem:$0x1EC00] =	vst v63  }
0x19a: {  	_ =	swait.ge [sflag:s22], $0x4000  }
0x19b: {  	[sflag:s22] =	ssyncset.done $0x0  }
0x19c: {  	[sflag:s22] =	ssyncadd.s32 $0xFFFFC000  }
0x19d: {  	[tilespmem:s20], [sflag:$0x1] =	stream.indirect.gather [hbm4b:s2+s15], $0x80, s19, s15, $0xb8;
	[tilespmem:$0x1EC00] =	vst v63  }
0x19e: {  	v1 =	vld [tilespmem:s28+$0x300];
	_ =	sdelay $0x4  }
0x19f: {  	v2 =	vshrl.u32 v1, $0xE;
	v1 =	vand.u32 $0x3FFF, v1  }
0x1a0: {  	[tilespmem:$0x2900] =	vst v2  }
0x1a1: {  	[tilespmem:$0x2B00] =	vst v1  }
0x1a2: {  	v1 =	vld [tilespmem:s28+$0x310];
	_ =	sdelay $0x4  }
0x1a3: {  	v2 =	vshrl.u32 v1, $0xE;
	v1 =	vand.u32 $0x3FFF, v1  }
0x1a4: {  	[tilespmem:$0x2910] =	vst v2  }
0x1a5: {  	[tilespmem:$0x2B10] =	vst v1  }
0x1a6: {  	v1 =	vld [tilespmem:s28+$0x320];
	_ =	sdelay $0x4  }
0x1a7: {  	v2 =	vshrl.u32 v1, $0xE;
	v1 =	vand.u32 $0x3FFF, v1  }
0x1a8: {  	[tilespmem:$0x2920] =	vst v2  }
0x1a9: {  	[tilespmem:$0x2B20] =	vst v1  }
0x1aa: {  	v1 =	vld [tilespmem:s28+$0x330];
	_ =	sdelay $0x1  }
.Ltmp1:
0x1ab: {  	(pc) =	sbr.rel @p0 .LBB2_4-.Ltmp1, $3  }
0x1ac: {  	_ =	sdelay $0x1  }
0x1ad: {  	v2 =	vshrl.u32 v1, $0xE;
	v1 =	vand.u32 $0x3FFF, v1  }
0x1ae: {  	[tilespmem:$0x2930] =	vst v2  }
0x1af: {  	[tilespmem:$0x2B30] =	vst v1  }
0x1b0: {  	v1 =	vld [tilespmem:s28+$0x340];
	_ =	sdelay $0x4  }
0x1b1: {  	v2 =	vshrl.u32 v1, $0xE  }
0x1b2: {  	v1 =	vand.u32 $0x3FFF, v1;
	[tilespmem:$0x2940] =	vst v2  }
0x1b3: {  	[tilespmem:$0x2B40] =	vst v1  }
0x1b4: {  	v1 =	vld [tilespmem:s28+$0x350];
	_ =	sdelay $0x4  }
0x1b5: {  	v2 =	vshrl.u32 v1, $0xE  }
0x1b6: {  	v1 =	vand.u32 $0x3FFF, v1;
	[tilespmem:$0x2950] =	vst v2  }
0x1b7: {  	[tilespmem:$0x2B50] =	vst v1  }
0x1b8: {  	v1 =	vld [tilespmem:s28+$0x360];
	_ =	sdelay $0x4  }
0x1b9: {  	v2 =	vshrl.u32 v1, $0xE  }
0x1ba: {  	v1 =	vand.u32 $0x3FFF, v1;
	[tilespmem:$0x2960] =	vst v2  }
0x1bb: {  	[tilespmem:$0x2B60] =	vst v1  }
0x1bc: {  	v1 =	vld [tilespmem:s28+$0x370];
	_ =	sdelay $0x4  }
0x1bd: {  	v2 =	vshrl.u32 v1, $0xE  }
0x1be: {  	v1 =	vand.u32 $0x3FFF, v1;
	[tilespmem:$0x2970] =	vst v2  }
0x1bf: {  	[tilespmem:$0x2B70] =	vst v1  }
0x1c0: {  	_ =	swait.ge [sflag:s17], $0x4000  }
0x1c1: {  	[sflag:s17] =	ssyncset.done $0x0  }
0x1c2: {  	[sflag:s17] =	ssyncadd.s32 $0xFFFFC000  }
0x1c3: {  	[spmem:s3] =	stream.indirect.scatter.add.f32 [tilespmem:s20], [sflag:$0x2], $0x80, s21, s15, $0xb8;
	[tilespmem:$0x1EC00] =	vst v63  }
0x1c4: {  	_ =	swait.ge [sflag:s22], $0x4000  }
0x1c5: {  	[sflag:s22] =	ssyncset.done $0x0  }
0x1c6: {  	[sflag:s22] =	ssyncadd.s32 $0xFFFFC000  }
0x1c7: {  	[tilespmem:s13], [sflag:$0x1] =	stream.indirect.gather [hbm4b:s2+s15], $0x80, s23, s15, $0xb8;
	[tilespmem:$0x1EC00] =	vst v63  }
0x1c8: {  	_ =	swait.ge [sflag:s17], $0x4000  }
0x1c9: {  	[sflag:s17] =	ssyncset.done $0x0  }
0x1ca: {  	[sflag:s17] =	ssyncadd.s32 $0xFFFFC000  }
0x1cb: {  	[spmem:s3] =	stream.indirect.scatter.add.f32 [tilespmem:s13], [sflag:$0x2], $0x80, s24, s15, $0xb8;
	[tilespmem:$0x1EC00] =	vst v63  }
0x1cc: {  	_ =	swait.ge [sflag:s22], $0x4000  }
0x1cd: {  	[sflag:s22] =	ssyncset.done $0x0  }
0x1ce: {  	[sflag:s22] =	ssyncadd.s32 $0xFFFFC000  }
0x1cf: {  	v1 =	vld [tilespmem:$0x2780];
	_ =	sdelay $0x1  }
0x1d0: {  	v2 =	vld [tilespmem:$0x2790];
	_ =	sdelay $0x1  }
0x1d1: {  	v3 =	vld [tilespmem:$0x27A0]  }
0x1d2: {  	v4 =	vshrl.u32 v1, $0xE  }
0x1d3: {  	v62 =	vld [tilespmem:$0x27B0];
	v1 =	vand.u32 $0x3FFF, v1;
	[tilespmem:$0x2980] =	vst v4  }
0x1d4: {  	[tilespmem:$0x2B80] =	vst v1;
	v1 =	vshrl.u32 v2, $0xE  }
0x1d5: {  	[tilespmem:$0x2990] =	vst v1;
	v1 =	vand.u32 $0x3FFF, v2;
	v2 =	vld [tilespmem:$0x27C0]  }
0x1d6: {  	[tilespmem:$0x2B90] =	vst v1;
	v1 =	vshrl.u32 v3, $0xE  }
0x1d7: {  	[tilespmem:$0x29A0] =	vst v1;
	v1 =	vand.u32 $0x3FFF, v3;
	v3 =	vld [tilespmem:$0x27D0]  }
0x1d8: {  	[tilespmem:$0x2BA0] =	vst v1;
	v1 =	vshrl.u32 v62, $0xE  }
0x1d9: {  	v63 =	vld [tilespmem:$0x27E0];
	[tilespmem:$0x29B0] =	vst v1;
	v1 =	vand.u32 $0x3FFF, v62  }
0x1da: {  	[tilespmem:$0x2BB0] =	vst v1;
	v1 =	vshrl.u32 v2, $0xE  }
0x1db: {  	[tilespmem:$0x29C0] =	vst v1;
	v1 =	vand.u32 $0x3FFF, v2;
	v2 =	vld [tilespmem:$0x27F0]  }
0x1dc: {  	[tilespmem:$0x2BC0] =	vst v1;
	v1 =	vshrl.u32 v3, $0xE  }
0x1dd: {  	[tilespmem:$0x29D0] =	vst v1;
	v1 =	vand.u32 $0x3FFF, v3  }
0x1de: {  	[tilespmem:$0x2BD0] =	vst v1;
	v1 =	vshrl.u32 v63, $0xE  }
0x1df: {  	[tilespmem:$0x29E0] =	vst v1;
	v1 =	vand.u32 $0x3FFF, v63  }
0x1e0: {  	[tilespmem:$0x2BE0] =	vst v1;
	v1 =	vshrl.u32 v2, $0xE  }
0x1e1: {  	[tilespmem:$0x29F0] =	vst v1;
	v1 =	vand.u32 $0x3FFF, v2  }
0x1e2: {  	[tilespmem:$0x2BF0] =	vst v1  }
0x1e3: {  	[tilespmem:s20], [sflag:$0x1] =	stream.indirect.gather [hbm4b:s2+s15], $0x80, s25, s15, $0xb8;
	[tilespmem:$0x1EC00] =	vst v63  }
0x1e4: {  	_ =	swait.ge [sflag:s17], $0x4000  }
0x1e5: {  	[sflag:s17] =	ssyncset.done $0x0  }
0x1e6: {  	[sflag:s17] =	ssyncadd.s32 $0xFFFFC000  }
0x1e7: {  	[spmem:s3] =	stream.indirect.scatter.add.f32 [tilespmem:s20], [sflag:$0x2], $0x80, s26, s15, $0xb8;
	[tilespmem:$0x1EC00] =	vst v63  }
0x1e8: {  	_ =	swait.ge [sflag:s22], $0x4000  }
0x1e9: {  	[sflag:s22] =	ssyncset.done $0x0  }
0x1ea: {  	[sflag:s22] =	ssyncadd.s32 $0xFFFFC000  }
0x1eb: {  	_ =	swait.ge [sflag:s22], $0x4000  }
0x1ec: {  	s31 =	sshll.u32 s0, $0x6;
	s4 =	sadd.s32 $0x1, s4;
	[sflag:s22] =	ssyncset.done $0x0  }
0x1ed: {  	s29 =	sshrl.u32 s5, $0x3;
	p0 =	sne.s32 s4, s12;
	[sflag:s22] =	ssyncadd.s32 $0xFFFFC000  }
.Ltmp2:
0x1ee: {  	s28 =	sor.u32 $0x1C03, s31;
	[bflag:$0x0] =	sbarrier.arrive $0xFFFF;
	(pc) =	sbr.rel @p0 .LBB2_1-.Ltmp2, $4  }
0x1ef: {  	[hbm:s11], [sflag:s28] =	dma.local [spmem:s29], $0x2800  }
0x1f0: {  	_ =	swait.ge [sflag:s14], $0x2800  }
0x1f1: {  	[sflag:s14] =	ssyncset.done $0x0  }
0x1f2: {  	[sflag:s14] =	ssyncadd.s32 $0xFFFFD800  }
0x1f3: {  	_ =	sfence.sel $0x180000  }
0x1f4: {  	[bflag:$0x0] =	sbarrier.arrive $0xFFFF  }
0x1f5: {  	p0 =	sne.s32 s0, $0x0;
	_ =	strace $0x9000004A  }
0x1f6: {  	s0 =	sadd.s32 @!p0 $0x100000, s1;
	[bflag:$0x2] =	sbarrier.arrive $0xFFFF  }
0x1f7: {  	[sflag:s0] =	ssyncadd.tile.s32 @!p0 $0x1;
	_ =	shalt  }
.Lfunc_end2:
_tile_overlayer_lowered:
.L_overlay_start_2:
0x1f8: {  	(tag) =	ssettag $0x2  }
0x1f9: {  	s0 =	rddreg [dreg:$0x0];
	s2 =	stileid.u32  }
0x1fa: {  	s1 =	rddreg [dreg:$0x1];
	p0 =	sne.s32 s2, $0x0  }
0x1fb: {  	s3 =	rddreg [dreg:$0x2];
	[bflag:$0x3] =	sbarrier.arrive $0xFFFF;
	s2 =	simm.s32 @!p0 $0x1C03  }
0x1fc: {  	[timem:s3], [sflag:s2] =	dma.local @!p0 [hbm:s0], s1  }
0x1fd: {  	s0 =	simm.s32 @!p0 $0x3  }
0x1fe: {  	_ =	swait.ge @!p0 [sflag:s0], s1  }
0x1ff: {  	s1 =	ssub.s32 @!p0 $0x0, s1;
	[sflag:s0] =	ssyncset.done @!p0 $0x0  }
0x200: {  	[sflag:s0] =	ssyncadd.s32 @!p0 s1  }
0x201: {  	[bflag:$0x3] =	sbarrier.arrive $0xFFFF  }
0x202: {  	_ =	shalt  }

</sc_bundles>
